<compile_context>
chip_gen: v7x
topology: tpu7x:2x2x1
jax: 0.10.2.dev20260603
libtpu: 0.0.44.dev20260713+nightly
codegen_flags: <defaults>
</compile_context>

<pallas_src>
import functools

import jax
import jax.numpy as jnp
from jax import lax
from jax.experimental import pallas as pl
from jax.experimental.pallas import tpu as pltpu
from jax.experimental.pallas import tpu_sc as plsc

NB = 2
E = 8
D = 768
F = 1024
T = 2048
TB = 256
BM = 128
NBLK = T // BM + E
PAD = NBLK * BM

_SC_WORKERS = 32


def _norm(xb, eps=1e-5):
    m = jnp.mean(xb, axis=-1, keepdims=True)
    v = jnp.mean((xb - m) ** 2, axis=-1, keepdims=True)
    return (xb - m) / jnp.sqrt(v + eps)


def _routing_body(x_ref, g_ref, b_ref, gw_ref, gb_ref,
                  gate_ref, idx_ref, cumtok_ref, counts_ref, carry_ref):
    i = pl.program_id(0)

    @pl.when(i == 0)
    def _():
        carry_ref[...] = jnp.zeros((NB, E), jnp.float32)

    xb = x_ref[0]
    z = _norm(xb)
    r_i = lax.broadcasted_iota(jnp.int32, (TB, TB), 0)
    c_i = lax.broadcasted_iota(jnp.int32, (TB, TB), 1)
    lt = (c_i < r_i).astype(jnp.float32)
    iota_e = lax.broadcasted_iota(jnp.int32, (TB, E), 1)

    for b in range(NB):
        h = z * g_ref[b, 0, :] + b_ref[b, 0, :]
        logits = jnp.dot(h, gw_ref[b], preferred_element_type=jnp.float32)
        logits = logits + gb_ref[b, 0, :]
        lmax = jnp.max(logits, axis=-1, keepdims=True)
        p = jnp.exp(logits - lmax)
        probs = p / jnp.sum(p, axis=-1, keepdims=True)
        gate = jnp.max(probs, axis=-1)
        is_max = probs == gate[:, None]
        idxv = jnp.min(jnp.where(is_max, iota_e, E), axis=-1)
        onehot = (iota_e == idxv[:, None]).astype(jnp.float32)

        cumw = jnp.dot(lt, onehot, preferred_element_type=jnp.float32)
        carry = carry_ref[b, :][None, :]
        cum_excl = cumw + carry
        cumtok = jnp.sum(onehot * cum_excl, axis=-1)

        gate_ref[b, 0, :] = gate
        idx_ref[b, 0, :] = idxv
        cumtok_ref[b, 0, :] = cumtok.astype(jnp.int32)
        new_carry = carry[0, :] + jnp.sum(onehot, axis=0)
        carry_ref[b, :] = new_carry
        counts_ref[b, 0, :] = new_carry.astype(jnp.int32)


def _routing(x, ln_g, ln_b, gateW, gateb):
    return pl.pallas_call(
        _routing_body,
        grid=(T // TB,),
        in_specs=[
            pl.BlockSpec((1, TB, D), lambda i: (0, i, 0)),
            pl.BlockSpec((NB, 1, D), lambda i: (0, 0, 0)),
            pl.BlockSpec((NB, 1, D), lambda i: (0, 0, 0)),
            pl.BlockSpec((NB, D, E), lambda i: (0, 0, 0)),
            pl.BlockSpec((NB, 1, E), lambda i: (0, 0, 0)),
        ],
        out_specs=[
            pl.BlockSpec((NB, 1, TB), lambda i: (0, 0, i)),
            pl.BlockSpec((NB, 1, TB), lambda i: (0, 0, i)),
            pl.BlockSpec((NB, 1, TB), lambda i: (0, 0, i)),
            pl.BlockSpec((NB, 1, E), lambda i: (0, 0, 0)),
        ],
        out_shape=[
            jax.ShapeDtypeStruct((NB, 1, T), jnp.float32),
            jax.ShapeDtypeStruct((NB, 1, T), jnp.int32),
            jax.ShapeDtypeStruct((NB, 1, T), jnp.int32),
            jax.ShapeDtypeStruct((NB, 1, E), jnp.int32),
        ],
        scratch_shapes=[pltpu.VMEM((NB, E), jnp.float32)],
    )(x, ln_g.reshape(NB, 1, D), ln_b.reshape(NB, 1, D), gateW,
      gateb.reshape(NB, 1, E))


def _finalize_body(counts_ref, idx_ref, cumtok_ref, dest_ref, be_ref, ub_ref):
    b = pl.program_id(0)

    counts = counts_ref[0, 0, :]
    nblk_e = (counts + (BM - 1)) // BM
    pc = nblk_e * BM
    e_r = lax.broadcasted_iota(jnp.int32, (E, E), 0)
    e_c = lax.broadcasted_iota(jnp.int32, (E, E), 1)
    lt8 = (e_c < e_r).astype(jnp.float32)
    off = jnp.sum(lt8 * pc.astype(jnp.float32)[None, :], axis=-1)
    ub = jnp.sum(nblk_e)
    iota8 = lax.broadcasted_iota(jnp.int32, (1, E), 1)[0]
    last_e = jnp.max(jnp.where(counts > 0, iota8, 0))

    idxv = idx_ref[0, 0, :]
    cumtok = cumtok_ref[0, 0, :]
    iota_te = lax.broadcasted_iota(jnp.int32, (T, E), 1)
    oh = (iota_te == idxv[:, None]).astype(jnp.float32)
    off_tok = jnp.sum(oh * off[None, :], axis=-1)
    dest_ref[0, 0, :] = cumtok + off_tok.astype(jnp.int32)

    jb = lax.broadcasted_iota(jnp.int32, (NBLK, E), 0) * BM
    off_be = jnp.broadcast_to(off[None, :], (NBLK, E))
    be = jnp.sum((off_be <= jb.astype(jnp.float32)).astype(jnp.int32),
                 axis=-1) - 1
    jblk = lax.broadcasted_iota(jnp.int32, (1, NBLK), 1)[0]
    be = jnp.where(jblk < ub, jnp.clip(be, 0, E - 1), last_e)
    be_ref[0, 0, :] = be
    ub_ref[0, 0, :] = jnp.broadcast_to(ub, (NBLK,))


def _finalize(counts, idxs, cumtok):
    return pl.pallas_call(
        _finalize_body,
        grid=(NB,),
        in_specs=[
            pl.BlockSpec((1, 1, E), lambda b: (b, 0, 0)),
            pl.BlockSpec((1, 1, T), lambda b: (b, 0, 0)),
            pl.BlockSpec((1, 1, T), lambda b: (b, 0, 0)),
        ],
        out_specs=[
            pl.BlockSpec((1, 1, T), lambda b: (b, 0, 0)),
            pl.BlockSpec((1, 1, NBLK), lambda b: (b, 0, 0)),
            pl.BlockSpec((1, 1, NBLK), lambda b: (b, 0, 0)),
        ],
        out_shape=[
            jax.ShapeDtypeStruct((NB, 1, T), jnp.int32),
            jax.ShapeDtypeStruct((NB, 1, NBLK), jnp.int32),
            jax.ShapeDtypeStruct((NB, 1, NBLK), jnp.int32),
        ],
    )(counts, idxs, cumtok)


def _sc_scatter(x2d, dest_b):
    per_w = T // _SC_WORKERS
    mesh = plsc.VectorSubcoreMesh(core_axis_name="c", subcore_axis_name="s")

    @functools.partial(
        pl.kernel,
        mesh=mesh,
        out_type=jax.ShapeDtypeStruct((PAD, D), jnp.float32),
        scratch_types=[
            pltpu.VMEM((per_w,), jnp.int32),
            pltpu.VMEM((per_w, D), jnp.float32),
            pltpu.SemaphoreType.DMA,
        ],
    )
    def k(x_hbm, dest_hbm, out_hbm, idx_v, rows_v, sem):
        wid = lax.axis_index("s") * 2 + lax.axis_index("c")
        base = wid * per_w
        pltpu.sync_copy(dest_hbm.at[pl.ds(base, per_w)], idx_v)
        pltpu.sync_copy(x_hbm.at[pl.ds(base, per_w)], rows_v)
        pltpu.async_copy(rows_v, out_hbm.at[idx_v], sem).wait()

    return k(x2d, dest_b)


def _sc_gather(table, dest_b):
    per_w = T // _SC_WORKERS
    mesh = plsc.VectorSubcoreMesh(core_axis_name="c", subcore_axis_name="s")

    @functools.partial(
        pl.kernel,
        mesh=mesh,
        out_type=jax.ShapeDtypeStruct((T, D), jnp.float32),
        scratch_types=[
            pltpu.VMEM((per_w,), jnp.int32),
            pltpu.VMEM((per_w, D), jnp.float32),
            pltpu.SemaphoreType.DMA,
        ],
    )
    def k(table_hbm, dest_hbm, out_hbm, idx_v, rows_v, sem):
        wid = lax.axis_index("s") * 2 + lax.axis_index("c")
        base = wid * per_w
        pltpu.sync_copy(dest_hbm.at[pl.ds(base, per_w)], idx_v)
        pltpu.async_copy(table_hbm.at[idx_v], rows_v, sem).wait()
        pltpu.sync_copy(rows_v, out_hbm.at[pl.ds(base, per_w)])

    return k(table, dest_b)


def _ffn(b, be, ub, sorted_x, ln_g, ln_b, W1, b1, W2, b2):

    def body(be_ref, ub_ref, x_ref, g_ref, b_ref, w1_ref, b1_ref, w2_ref,
             b2_ref, out_ref):
        j = pl.program_id(0)

        @pl.when(j < ub_ref[b, 0, 0])
        def _():
            xb = x_ref[...]
            m = jnp.mean(xb, axis=-1, keepdims=True)
            v = jnp.mean((xb - m) ** 2, axis=-1, keepdims=True)
            h = ((xb - m) / jnp.sqrt(v + 1e-5) * g_ref[0, 0, :]
                 + b_ref[0, 0, :])
            h1 = jnp.dot(h, w1_ref[0, 0], preferred_element_type=jnp.float32)
            h1 = jax.nn.gelu(h1 + b1_ref[0, 0, 0])
            h2 = jnp.dot(h1, w2_ref[0, 0], preferred_element_type=jnp.float32)
            out_ref[...] = h2 + b2_ref[0, 0, 0]

    def jclamp(j, u):
        return jnp.minimum(j, u[b, 0, 0] - 1)

    grid_spec = pltpu.PrefetchScalarGridSpec(
        num_scalar_prefetch=2,
        grid=(NBLK,),
        in_specs=[
            pl.BlockSpec((BM, D), lambda j, s, u: (jclamp(j, u), 0)),
            pl.BlockSpec((1, 1, D), lambda j, s, u: (b, 0, 0)),
            pl.BlockSpec((1, 1, D), lambda j, s, u: (b, 0, 0)),
            pl.BlockSpec((1, 1, D, F), lambda j, s, u: (b, s[b, 0, j], 0, 0)),
            pl.BlockSpec((1, 1, 1, F), lambda j, s, u: (b, s[b, 0, j], 0, 0)),
            pl.BlockSpec((1, 1, F, D), lambda j, s, u: (b, s[b, 0, j], 0, 0)),
            pl.BlockSpec((1, 1, 1, D), lambda j, s, u: (b, s[b, 0, j], 0, 0)),
        ],
        out_specs=pl.BlockSpec((BM, D), lambda j, s, u: (jclamp(j, u), 0)),
    )
    return pl.pallas_call(
        body,
        grid_spec=grid_spec,
        out_shape=jax.ShapeDtypeStruct((PAD, D), jnp.float32),
    )(be, ub, sorted_x, ln_g.reshape(NB, 1, D), ln_b.reshape(NB, 1, D),
      W1, b1.reshape(NB, E, 1, F), W2, b2.reshape(NB, E, 1, D))


def _combine_body(x_ref, moe0_ref, moe1_ref, gate_ref, emb_ref, embW_ref,
                  embb_ref, sg_ref, sb_ref, outW_ref, outb_ref, out_ref):
    g0 = gate_ref[0, 0, :]
    g1 = gate_ref[1, 0, :]
    u = (moe0_ref[...] * g0[:, None] + moe1_ref[...] * g1[:, None]) * 0.5
    e = jax.nn.silu(emb_ref[...])
    e = jnp.dot(e, embW_ref[...], preferred_element_type=jnp.float32)
    e = e + embb_ref[...]
    scale = e[:, :D]
    shift = e[:, D:]
    m = jnp.mean(u, axis=-1, keepdims=True)
    v = jnp.mean((u - m) ** 2, axis=-1, keepdims=True)
    hh = (u - m) / jnp.sqrt(v + 1e-5) * sg_ref[0, :] + sb_ref[0, :]
    hh = hh * (1.0 + scale) + shift
    hh = jax.nn.silu(hh)
    o = jnp.dot(hh, outW_ref[...], preferred_element_type=jnp.float32)
    out_ref[0] = x_ref[0] + o + outb_ref[...]


def _combine(x, moe0, moe1, gate, emb, embW, embb, sn_g, sn_b, outW, outb):
    tdim = embW.shape[0]
    return pl.pallas_call(
        _combine_body,
        grid=(T // TB,),
        in_specs=[
            pl.BlockSpec((1, TB, D), lambda i: (0, i, 0)),
            pl.BlockSpec((TB, D), lambda i: (i, 0)),
            pl.BlockSpec((TB, D), lambda i: (i, 0)),
            pl.BlockSpec((NB, 1, TB), lambda i: (0, 0, i)),
            pl.BlockSpec((1, tdim), lambda i: (0, 0)),
            pl.BlockSpec((tdim, 2 * D), lambda i: (0, 0)),
            pl.BlockSpec((1, 2 * D), lambda i: (0, 0)),
            pl.BlockSpec((1, D), lambda i: (0, 0)),
            pl.BlockSpec((1, D), lambda i: (0, 0)),
            pl.BlockSpec((D, D), lambda i: (0, 0)),
            pl.BlockSpec((1, D), lambda i: (0, 0)),
        ],
        out_specs=pl.BlockSpec((1, TB, D), lambda i: (0, i, 0)),
        out_shape=jax.ShapeDtypeStruct((1, T, D), jnp.float32),
    )(x, moe0, moe1, gate, emb, embW, embb.reshape(1, 2 * D),
      sn_g.reshape(1, D), sn_b.reshape(1, D), outW, outb.reshape(1, D))


def kernel(x, emb, ln_g, ln_b, gateW, gateb, W1, b1, W2, b2,
           embW, embb, sn_g, sn_b, outW, outb):
    gate, idxs, cumtok, counts = _routing(x, ln_g, ln_b, gateW, gateb)
    dest, be, ub = _finalize(counts, idxs, cumtok)
    x2d = x.reshape(T, D)
    dest0 = dest[0, 0]
    dest1 = dest[1, 0]

    sx0 = _sc_scatter(x2d, dest0)
    sx1 = _sc_scatter(x2d, dest1)
    so0 = _ffn(0, be, ub, sx0, ln_g, ln_b, W1, b1, W2, b2)
    moe0 = _sc_gather(so0, dest0)
    so1 = _ffn(1, be, ub, sx1, ln_g, ln_b, W1, b1, W2, b2)
    moe1 = _sc_gather(so1, dest1)

    out = _combine(x, moe0, moe1, gate, emb, embW, embb,
                   sn_g, sn_b, outW, outb)
    return out

# --- scband reference (transcript-rebuilt; emitter-appended) ---
"""Pipeline reference for scband-mo-emulti-branch-ffn-53446573031460 (READ-ONLY COPY).

The authoritative reference and input builder live on the scoring server;
editing this copy changes nothing except your own understanding.
"""

import jax, jax.numpy as jnp
import numpy as np

NUM_BRANCHES = 2
NUM_EXPERTS = 8
LATENT = 768
FFN = 1024
TIME = 512

def _ln(h, g, b, eps=1e-5):
    m = jnp.mean(h, axis=-1, keepdims=True)
    v = jnp.var(h, axis=-1, keepdims=True)
    return (h - m) / jnp.sqrt(v + eps) * g + b

def _switch_moe(h, gW, gb, W1, b1, W2, b2):
    B, T, D = h.shape
    hf = h.reshape(B * T, D)
    logits = hf @ gW + gb
    probs = jax.nn.softmax(logits, axis=-1)
    gate_val = jnp.max(probs, axis=-1)
    idx = jnp.argmax(probs, axis=-1)
    onehot = jax.nn.one_hot(idx, W1.shape[0], dtype=hf.dtype)
    h1 = jnp.einsum('td,edf->tef', hf, W1) + b1[None, :, :]
    h1 = jax.nn.gelu(h1)
    h2 = jnp.einsum('tef,efd->ted', h1, W2) + b2[None, :, :]
    out = jnp.einsum('ted,te->td', h2, onehot) * gate_val[:, None]
    return out.reshape(B, T, D)

def _stylization(h, emb, embW, embb, sg, sb, outW, outb):
    e = jax.nn.silu(emb) @ embW + embb
    e = e[:, None, :]
    scale, shift = jnp.split(e, 2, axis=-1)
    hh = _ln(h, sg, sb) * (1.0 + scale) + shift
    hh = jax.nn.silu(hh)
    return hh @ outW + outb

def setup_inputs(seed: int = 0):
    key = jax.random.key(seed)
    ks = jax.random.split(key, 8)
    x = jax.random.normal(ks[0], (1, 2048, LATENT), dtype=jnp.float32)
    emb = jax.random.normal(ks[1], (1, TIME), dtype=jnp.float32)
    ln_g = jnp.ones((NUM_BRANCHES, LATENT), jnp.float32)
    ln_b = jnp.zeros((NUM_BRANCHES, LATENT), jnp.float32)
    gateW = jax.random.normal(ks[2], (NUM_BRANCHES, LATENT, NUM_EXPERTS), jnp.float32) * (1.0 / np.sqrt(LATENT))
    gateb = jnp.zeros((NUM_BRANCHES, NUM_EXPERTS), jnp.float32)
    W1 = jax.random.normal(ks[3], (NUM_BRANCHES, NUM_EXPERTS, LATENT, FFN), jnp.float32) * (1.0 / np.sqrt(LATENT))
    b1 = jnp.zeros((NUM_BRANCHES, NUM_EXPERTS, FFN), jnp.float32)
    W2 = jax.random.normal(ks[4], (NUM_BRANCHES, NUM_EXPERTS, FFN, LATENT), jnp.float32) * (1.0 / np.sqrt(FFN))
    b2 = jnp.zeros((NUM_BRANCHES, NUM_EXPERTS, LATENT), jnp.float32)
    embW = jax.random.normal(ks[5], (TIME, 2 * LATENT), jnp.float32) * (1.0 / np.sqrt(TIME))
    embb = jnp.zeros((2 * LATENT,), jnp.float32)
    sn_g = jnp.ones((LATENT,), jnp.float32)
    sn_b = jnp.zeros((LATENT,), jnp.float32)
    outW = jax.random.normal(ks[6], (LATENT, LATENT), jnp.float32) * 0.02
    outb = jnp.zeros((LATENT,), jnp.float32)
    return dict(x=x, emb=emb, ln_g=ln_g, ln_b=ln_b, gateW=gateW, gateb=gateb,
                W1=W1, b1=b1, W2=W2, b2=b2, embW=embW, embb=embb,
                sn_g=sn_g, sn_b=sn_b, outW=outW, outb=outb)

def reference(x, emb, ln_g, ln_b, gateW, gateb, W1, b1, W2, b2, embW, embb, sn_g, sn_b, outW, outb):
    out = jnp.zeros_like(x)
    for i in range(NUM_BRANCHES):
        h = _ln(x, ln_g[i], ln_b[i])
        h = _switch_moe(h, gateW[i], gateb[i], W1[i], b1[i], W2[i], b2[i])
        out = out + h
    out = out / NUM_BRANCHES
    return x + _stylization(out, emb, embW, embb, sn_g, sn_b, outW, outb)

if __name__ == "__main__":
    import jax
    _d = setup_inputs()
    print(jax.jit(kernel)(*tuple(_d.values())))

</pallas_src>

<mosaic_0001>
#map = affine_map<(d0, d1) -> (0, 0)>
#map1 = affine_map<(d0, d1) -> (0)>
module attributes {stable_mosaic.version = 14 : i64} {
  func.func @k(%arg0: i32, %arg1: i32, %arg2: memref<2048x768xf32, #tpu.memory_space<hbm>>, %arg3: memref<2048xi32, #tpu.memory_space<hbm>>, %arg4: memref<3072x768xf32, #tpu.memory_space<hbm>>, %arg5: memref<64xi32, #tpu.memory_space<vmem>>, %arg6: memref<64x768xf32, #tpu.memory_space<vmem>>, %arg7: memref<!tpu.dma_semaphore, #tpu.memory_space<semaphore_mem>>) attributes {dimension_semantics = [#tpu.dimension_semantics<core_parallel>, #tpu.dimension_semantics<subcore_parallel>], iteration_bounds = array<i64: 2, 16>, scalar_prefetch = 0 : i64, scratch_operands = 3 : i64, tpu.core_type = #tpu.core_type<sc_vector_subcore>, window_params = [{transform_indices = #map}, {transform_indices = #map1}, {transform_indices = #map}]} {
    %mul3A = arith.constant 2 : i32
    %mul3A_0 = arith.muli %arg1, %mul3A : i32
    %add3A = arith.addi %mul3A_0, %arg0 : i32
    %mul3A_1 = arith.constant 64 : i32
    %mul3A_2 = arith.muli %add3A, %mul3A_1 : i32
    "tpu.region"() ({
      %run_scoped3A = tpu.sem_alloc : memref<!tpu.dma_semaphore, #tpu.memory_space<semaphore_mem>>
      %dma_start3A_7 = tpu.memref_slice %arg3[%mul3A_2] : memref<2048xi32, #tpu.memory_space<hbm>> -> memref<64xi32, #tpu.memory_space<hbm>>
      %dma_start3A_8 = tpu.memref_slice %arg3[%mul3A_2] : memref<2048xi32, #tpu.memory_space<hbm>> -> memref<64xi32, #tpu.memory_space<hbm>>
      tpu.enqueue_dma source(%dma_start3A_8 : memref<64xi32, #tpu.memory_space<hbm>>) target(%arg5 : memref<64xi32, #tpu.memory_space<vmem>>) target_semaphore(%run_scoped3A : memref<!tpu.dma_semaphore, #tpu.memory_space<semaphore_mem>>)
      %dma_wait3A_9 = tpu.memref_slice %arg3[%mul3A_2] : memref<2048xi32, #tpu.memory_space<hbm>> -> memref<64xi32, #tpu.memory_space<hbm>>
      %dma_wait3A_10 = tpu.memref_slice %arg3[%mul3A_2] : memref<2048xi32, #tpu.memory_space<hbm>> -> memref<64xi32, #tpu.memory_space<hbm>>
      tpu.wait_dma2 semaphore(%run_scoped3A : memref<!tpu.dma_semaphore, #tpu.memory_space<semaphore_mem>>) src(%dma_wait3A_10 : memref<64xi32, #tpu.memory_space<hbm>>) dst(%arg5 : memref<64xi32, #tpu.memory_space<vmem>>)
      tpu.yield
    }) : () -> ()
    "tpu.region"() ({
      %run_scoped3A = tpu.sem_alloc : memref<!tpu.dma_semaphore, #tpu.memory_space<semaphore_mem>>
      %dma_start3A_7 = arith.constant 0 : i32
      %dma_start3A_8 = tpu.memref_slice %arg2[%mul3A_2, %dma_start3A_7] : memref<2048x768xf32, #tpu.memory_space<hbm>> -> memref<64x768xf32, #tpu.memory_space<hbm>>
      %dma_start3A_9 = arith.constant 0 : i32
      %dma_start3A_10 = tpu.memref_slice %arg2[%mul3A_2, %dma_start3A_9] : memref<2048x768xf32, #tpu.memory_space<hbm>> -> memref<64x768xf32, #tpu.memory_space<hbm>>
      tpu.enqueue_dma source(%dma_start3A_10 : memref<64x768xf32, #tpu.memory_space<hbm>>) target(%arg6 : memref<64x768xf32, #tpu.memory_space<vmem>>) target_semaphore(%run_scoped3A : memref<!tpu.dma_semaphore, #tpu.memory_space<semaphore_mem>>)
      %dma_wait3A_11 = arith.constant 0 : i32
      %dma_wait3A_12 = tpu.memref_slice %arg2[%mul3A_2, %dma_wait3A_11] : memref<2048x768xf32, #tpu.memory_space<hbm>> -> memref<64x768xf32, #tpu.memory_space<hbm>>
      %dma_wait3A_13 = arith.constant 0 : i32
      %dma_wait3A_14 = tpu.memref_slice %arg2[%mul3A_2, %dma_wait3A_13] : memref<2048x768xf32, #tpu.memory_space<hbm>> -> memref<64x768xf32, #tpu.memory_space<hbm>>
      tpu.wait_dma2 semaphore(%run_scoped3A : memref<!tpu.dma_semaphore, #tpu.memory_space<semaphore_mem>>) src(%dma_wait3A_14 : memref<64x768xf32, #tpu.memory_space<hbm>>) dst(%arg6 : memref<64x768xf32, #tpu.memory_space<vmem>>)
      tpu.yield
    }) : () -> ()
    %dma_start3A = arith.constant 0 : i32
    %dma_start3A_3 = arith.constant 0 : i32
    %dma_start3A_4 = tpu.memref_slice %arg4[%dma_start3A, %dma_start3A_3] : memref<3072x768xf32, #tpu.memory_space<hbm>> -> memref<3072x768xf32, #tpu.memory_space<hbm>>
    tpu.enqueue_indirect_dma source(%arg6 : memref<64x768xf32, #tpu.memory_space<vmem>>) target(%dma_start3A_4 : memref<3072x768xf32, #tpu.memory_space<hbm>>) offsets(%arg5 : memref<64xi32, #tpu.memory_space<vmem>>) semaphore(%arg7 : memref<!tpu.dma_semaphore, #tpu.memory_space<semaphore_mem>>)
    %dma_wait3A = arith.constant 0 : i32
    %dma_wait3A_5 = arith.constant 0 : i32
    %dma_wait3A_6 = tpu.memref_slice %arg4[%dma_wait3A, %dma_wait3A_5] : memref<3072x768xf32, #tpu.memory_space<hbm>> -> memref<3072x768xf32, #tpu.memory_space<hbm>>
    tpu.wait_indirect_dma semaphore(%arg7 : memref<!tpu.dma_semaphore, #tpu.memory_space<semaphore_mem>>) src(%arg6 : memref<64x768xf32, #tpu.memory_space<vmem>>) dst(%dma_wait3A_6 : memref<3072x768xf32, #tpu.memory_space<hbm>>)
    return
  }
}

#map = affine_map<(d0, d1) -> (0, 0)>
#map1 = affine_map<(d0, d1) -> (0)>
module attributes {stable_mosaic.version = 14 : i64} {
  func.func @k(%arg0: i32, %arg1: i32, %arg2: memref<3072x768xf32, #tpu.memory_space<hbm>>, %arg3: memref<2048xi32, #tpu.memory_space<hbm>>, %arg4: memref<2048x768xf32, #tpu.memory_space<hbm>>, %arg5: memref<64xi32, #tpu.memory_space<vmem>>, %arg6: memref<64x768xf32, #tpu.memory_space<vmem>>, %arg7: memref<!tpu.dma_semaphore, #tpu.memory_space<semaphore_mem>>) attributes {dimension_semantics = [#tpu.dimension_semantics<core_parallel>, #tpu.dimension_semantics<subcore_parallel>], iteration_bounds = array<i64: 2, 16>, scalar_prefetch = 0 : i64, scratch_operands = 3 : i64, tpu.core_type = #tpu.core_type<sc_vector_subcore>, window_params = [{transform_indices = #map}, {transform_indices = #map1}, {transform_indices = #map}]} {
    %mul3A = arith.constant 2 : i32
    %mul3A_0 = arith.muli %arg1, %mul3A : i32
    %add3A = arith.addi %mul3A_0, %arg0 : i32
    %mul3A_1 = arith.constant 64 : i32
    %mul3A_2 = arith.muli %add3A, %mul3A_1 : i32
    "tpu.region"() ({
      %run_scoped3A = tpu.sem_alloc : memref<!tpu.dma_semaphore, #tpu.memory_space<semaphore_mem>>
      %dma_start3A_7 = tpu.memref_slice %arg3[%mul3A_2] : memref<2048xi32, #tpu.memory_space<hbm>> -> memref<64xi32, #tpu.memory_space<hbm>>
      %dma_start3A_8 = tpu.memref_slice %arg3[%mul3A_2] : memref<2048xi32, #tpu.memory_space<hbm>> -> memref<64xi32, #tpu.memory_space<hbm>>
      tpu.enqueue_dma source(%dma_start3A_8 : memref<64xi32, #tpu.memory_space<hbm>>) target(%arg5 : memref<64xi32, #tpu.memory_space<vmem>>) target_semaphore(%run_scoped3A : memref<!tpu.dma_semaphore, #tpu.memory_space<semaphore_mem>>)
      %dma_wait3A_9 = tpu.memref_slice %arg3[%mul3A_2] : memref<2048xi32, #tpu.memory_space<hbm>> -> memref<64xi32, #tpu.memory_space<hbm>>
      %dma_wait3A_10 = tpu.memref_slice %arg3[%mul3A_2] : memref<2048xi32, #tpu.memory_space<hbm>> -> memref<64xi32, #tpu.memory_space<hbm>>
      tpu.wait_dma2 semaphore(%run_scoped3A : memref<!tpu.dma_semaphore, #tpu.memory_space<semaphore_mem>>) src(%dma_wait3A_10 : memref<64xi32, #tpu.memory_space<hbm>>) dst(%arg5 : memref<64xi32, #tpu.memory_space<vmem>>)
      tpu.yield
    }) : () -> ()
    %dma_start3A = arith.constant 0 : i32
    %dma_start3A_3 = arith.constant 0 : i32
    %dma_start3A_4 = tpu.memref_slice %arg2[%dma_start3A, %dma_start3A_3] : memref<3072x768xf32, #tpu.memory_space<hbm>> -> memref<3072x768xf32, #tpu.memory_space<hbm>>
    tpu.enqueue_indirect_dma source(%dma_start3A_4 : memref<3072x768xf32, #tpu.memory_space<hbm>>) target(%arg6 : memref<64x768xf32, #tpu.memory_space<vmem>>) offsets(%arg5 : memref<64xi32, #tpu.memory_space<vmem>>) semaphore(%arg7 : memref<!tpu.dma_semaphore, #tpu.memory_space<semaphore_mem>>)
    %dma_wait3A = arith.constant 0 : i32
    %dma_wait3A_5 = arith.constant 0 : i32
    %dma_wait3A_6 = tpu.memref_slice %arg2[%dma_wait3A, %dma_wait3A_5] : memref<3072x768xf32, #tpu.memory_space<hbm>> -> memref<3072x768xf32, #tpu.memory_space<hbm>>
    tpu.wait_indirect_dma semaphore(%arg7 : memref<!tpu.dma_semaphore, #tpu.memory_space<semaphore_mem>>) src(%dma_wait3A_6 : memref<3072x768xf32, #tpu.memory_space<hbm>>) dst(%arg6 : memref<64x768xf32, #tpu.memory_space<vmem>>)
    "tpu.region"() ({
      %run_scoped3A = tpu.sem_alloc : memref<!tpu.dma_semaphore, #tpu.memory_space<semaphore_mem>>
      %dma_start3A_7 = arith.constant 0 : i32
      %dma_start3A_8 = tpu.memref_slice %arg4[%mul3A_2, %dma_start3A_7] : memref<2048x768xf32, #tpu.memory_space<hbm>> -> memref<64x768xf32, #tpu.memory_space<hbm>>
      %dma_start3A_9 = arith.constant 0 : i32
      %dma_start3A_10 = tpu.memref_slice %arg4[%mul3A_2, %dma_start3A_9] : memref<2048x768xf32, #tpu.memory_space<hbm>> -> memref<64x768xf32, #tpu.memory_space<hbm>>
      tpu.enqueue_dma source(%arg6 : memref<64x768xf32, #tpu.memory_space<vmem>>) target(%dma_start3A_10 : memref<64x768xf32, #tpu.memory_space<hbm>>) target_semaphore(%run_scoped3A : memref<!tpu.dma_semaphore, #tpu.memory_space<semaphore_mem>>)
      %dma_wait3A_11 = arith.constant 0 : i32
      %dma_wait3A_12 = tpu.memref_slice %arg4[%mul3A_2, %dma_wait3A_11] : memref<2048x768xf32, #tpu.memory_space<hbm>> -> memref<64x768xf32, #tpu.memory_space<hbm>>
      %dma_wait3A_13 = arith.constant 0 : i32
      %dma_wait3A_14 = tpu.memref_slice %arg4[%mul3A_2, %dma_wait3A_13] : memref<2048x768xf32, #tpu.memory_space<hbm>> -> memref<64x768xf32, #tpu.memory_space<hbm>>
      tpu.wait_dma2 semaphore(%run_scoped3A : memref<!tpu.dma_semaphore, #tpu.memory_space<semaphore_mem>>) src(%arg6 : memref<64x768xf32, #tpu.memory_space<vmem>>) dst(%dma_wait3A_14 : memref<64x768xf32, #tpu.memory_space<hbm>>)
      tpu.yield
    }) : () -> ()
    return
  }
}

#map = affine_map<(d0, d1) -> (0, 0)>
#map1 = affine_map<(d0, d1) -> (0)>
module attributes {stable_mosaic.version = 14 : i64} {
  func.func @k(%arg0: i32, %arg1: i32, %arg2: memref<3072x768xf32, #tpu.memory_space<hbm>>, %arg3: memref<2048xi32, #tpu.memory_space<hbm>>, %arg4: memref<2048x768xf32, #tpu.memory_space<hbm>>, %arg5: memref<64xi32, #tpu.memory_space<vmem>>, %arg6: memref<64x768xf32, #tpu.memory_space<vmem>>, %arg7: memref<!tpu.dma_semaphore, #tpu.memory_space<semaphore_mem>>) attributes {dimension_semantics = [#tpu.dimension_semantics<core_parallel>, #tpu.dimension_semantics<subcore_parallel>], iteration_bounds = array<i64: 2, 16>, scalar_prefetch = 0 : i64, scratch_operands = 3 : i64, tpu.core_type = #tpu.core_type<sc_vector_subcore>, window_params = [{transform_indices = #map}, {transform_indices = #map1}, {transform_indices = #map}]} {
    %mul3A = arith.constant 2 : i32
    %mul3A_0 = arith.muli %arg1, %mul3A : i32
    %add3A = arith.addi %mul3A_0, %arg0 : i32
    %mul3A_1 = arith.constant 64 : i32
    %mul3A_2 = arith.muli %add3A, %mul3A_1 : i32
    "tpu.region"() ({
      %run_scoped3A = tpu.sem_alloc : memref<!tpu.dma_semaphore, #tpu.memory_space<semaphore_mem>>
      %dma_start3A_7 = tpu.memref_slice %arg3[%mul3A_2] : memref<2048xi32, #tpu.memory_space<hbm>> -> memref<64xi32, #tpu.memory_space<hbm>>
      %dma_start3A_8 = tpu.memref_slice %arg3[%mul3A_2] : memref<2048xi32, #tpu.memory_space<hbm>> -> memref<64xi32, #tpu.memory_space<hbm>>
      tpu.enqueue_dma source(%dma_start3A_8 : memref<64xi32, #tpu.memory_space<hbm>>) target(%arg5 : memref<64xi32, #tpu.memory_space<vmem>>) target_semaphore(%run_scoped3A : memref<!tpu.dma_semaphore, #tpu.memory_space<semaphore_mem>>)
      %dma_wait3A_9 = tpu.memref_slice %arg3[%mul3A_2] : memref<2048xi32, #tpu.memory_space<hbm>> -> memref<64xi32, #tpu.memory_space<hbm>>
      %dma_wait3A_10 = tpu.memref_slice %arg3[%mul3A_2] : memref<2048xi32, #tpu.memory_space<hbm>> -> memref<64xi32, #tpu.memory_space<hbm>>
      tpu.wait_dma2 semaphore(%run_scoped3A : memref<!tpu.dma_semaphore, #tpu.memory_space<semaphore_mem>>) src(%dma_wait3A_10 : memref<64xi32, #tpu.memory_space<hbm>>) dst(%arg5 : memref<64xi32, #tpu.memory_space<vmem>>)
      tpu.yield
    }) : () -> ()
    %dma_start3A = arith.constant 0 : i32
    %dma_start3A_3 = arith.constant 0 : i32
    %dma_start3A_4 = tpu.memref_slice %arg2[%dma_start3A, %dma_start3A_3] : memref<3072x768xf32, #tpu.memory_space<hbm>> -> memref<3072x768xf32, #tpu.memory_space<hbm>>
    tpu.enqueue_indirect_dma source(%dma_start3A_4 : memref<3072x768xf32, #tpu.memory_space<hbm>>) target(%arg6 : memref<64x768xf32, #tpu.memory_space<vmem>>) offsets(%arg5 : memref<64xi32, #tpu.memory_space<vmem>>) semaphore(%arg7 : memref<!tpu.dma_semaphore, #tpu.memory_space<semaphore_mem>>)
    %dma_wait3A = arith.constant 0 : i32
    %dma_wait3A_5 = arith.constant 0 : i32
    %dma_wait3A_6 = tpu.memref_slice %arg2[%dma_wait3A, %dma_wait3A_5] : memref<3072x768xf32, #tpu.memory_space<hbm>> -> memref<3072x768xf32, #tpu.memory_space<hbm>>
    tpu.wait_indirect_dma semaphore(%arg7 : memref<!tpu.dma_semaphore, #tpu.memory_space<semaphore_mem>>) src(%dma_wait3A_6 : memref<3072x768xf32, #tpu.memory_space<hbm>>) dst(%arg6 : memref<64x768xf32, #tpu.memory_space<vmem>>)
    "tpu.region"() ({
      %run_scoped3A = tpu.sem_alloc : memref<!tpu.dma_semaphore, #tpu.memory_space<semaphore_mem>>
      %dma_start3A_7 = arith.constant 0 : i32
      %dma_start3A_8 = tpu.memref_slice %arg4[%mul3A_2, %dma_start3A_7] : memref<2048x768xf32, #tpu.memory_space<hbm>> -> memref<64x768xf32, #tpu.memory_space<hbm>>
      %dma_start3A_9 = arith.constant 0 : i32
      %dma_start3A_10 = tpu.memref_slice %arg4[%mul3A_2, %dma_start3A_9] : memref<2048x768xf32, #tpu.memory_space<hbm>> -> memref<64x768xf32, #tpu.memory_space<hbm>>
      tpu.enqueue_dma source(%arg6 : memref<64x768xf32, #tpu.memory_space<vmem>>) target(%dma_start3A_10 : memref<64x768xf32, #tpu.memory_space<hbm>>) target_semaphore(%run_scoped3A : memref<!tpu.dma_semaphore, #tpu.memory_space<semaphore_mem>>)
      %dma_wait3A_11 = arith.constant 0 : i32
      %dma_wait3A_12 = tpu.memref_slice %arg4[%mul3A_2, %dma_wait3A_11] : memref<2048x768xf32, #tpu.memory_space<hbm>> -> memref<64x768xf32, #tpu.memory_space<hbm>>
      %dma_wait3A_13 = arith.constant 0 : i32
      %dma_wait3A_14 = tpu.memref_slice %arg4[%mul3A_2, %dma_wait3A_13] : memref<2048x768xf32, #tpu.memory_space<hbm>> -> memref<64x768xf32, #tpu.memory_space<hbm>>
      tpu.wait_dma2 semaphore(%run_scoped3A : memref<!tpu.dma_semaphore, #tpu.memory_space<semaphore_mem>>) src(%arg6 : memref<64x768xf32, #tpu.memory_space<vmem>>) dst(%dma_wait3A_14 : memref<64x768xf32, #tpu.memory_space<hbm>>)
      tpu.yield
    }) : () -> ()
    return
  }
}

#map = affine_map<(d0, d1) -> (0, 0)>
#map1 = affine_map<(d0, d1) -> (0)>
module attributes {stable_mosaic.version = 14 : i64} {
  func.func @k(%arg0: i32, %arg1: i32, %arg2: memref<2048x768xf32, #tpu.memory_space<hbm>>, %arg3: memref<2048xi32, #tpu.memory_space<hbm>>, %arg4: memref<3072x768xf32, #tpu.memory_space<hbm>>, %arg5: memref<64xi32, #tpu.memory_space<vmem>>, %arg6: memref<64x768xf32, #tpu.memory_space<vmem>>, %arg7: memref<!tpu.dma_semaphore, #tpu.memory_space<semaphore_mem>>) attributes {dimension_semantics = [#tpu.dimension_semantics<core_parallel>, #tpu.dimension_semantics<subcore_parallel>], iteration_bounds = array<i64: 2, 16>, scalar_prefetch = 0 : i64, scratch_operands = 3 : i64, tpu.core_type = #tpu.core_type<sc_vector_subcore>, window_params = [{transform_indices = #map}, {transform_indices = #map1}, {transform_indices = #map}]} {
    %mul3A = arith.constant 2 : i32
    %mul3A_0 = arith.muli %arg1, %mul3A : i32
    %add3A = arith.addi %mul3A_0, %arg0 : i32
    %mul3A_1 = arith.constant 64 : i32
    %mul3A_2 = arith.muli %add3A, %mul3A_1 : i32
    "tpu.region"() ({
      %run_scoped3A = tpu.sem_alloc : memref<!tpu.dma_semaphore, #tpu.memory_space<semaphore_mem>>
      %dma_start3A_7 = tpu.memref_slice %arg3[%mul3A_2] : memref<2048xi32, #tpu.memory_space<hbm>> -> memref<64xi32, #tpu.memory_space<hbm>>
      %dma_start3A_8 = tpu.memref_slice %arg3[%mul3A_2] : memref<2048xi32, #tpu.memory_space<hbm>> -> memref<64xi32, #tpu.memory_space<hbm>>
      tpu.enqueue_dma source(%dma_start3A_8 : memref<64xi32, #tpu.memory_space<hbm>>) target(%arg5 : memref<64xi32, #tpu.memory_space<vmem>>) target_semaphore(%run_scoped3A : memref<!tpu.dma_semaphore, #tpu.memory_space<semaphore_mem>>)
      %dma_wait3A_9 = tpu.memref_slice %arg3[%mul3A_2] : memref<2048xi32, #tpu.memory_space<hbm>> -> memref<64xi32, #tpu.memory_space<hbm>>
      %dma_wait3A_10 = tpu.memref_slice %arg3[%mul3A_2] : memref<2048xi32, #tpu.memory_space<hbm>> -> memref<64xi32, #tpu.memory_space<hbm>>
      tpu.wait_dma2 semaphore(%run_scoped3A : memref<!tpu.dma_semaphore, #tpu.memory_space<semaphore_mem>>) src(%dma_wait3A_10 : memref<64xi32, #tpu.memory_space<hbm>>) dst(%arg5 : memref<64xi32, #tpu.memory_space<vmem>>)
      tpu.yield
    }) : () -> ()
    "tpu.region"() ({
      %run_scoped3A = tpu.sem_alloc : memref<!tpu.dma_semaphore, #tpu.memory_space<semaphore_mem>>
      %dma_start3A_7 = arith.constant 0 : i32
      %dma_start3A_8 = tpu.memref_slice %arg2[%mul3A_2, %dma_start3A_7] : memref<2048x768xf32, #tpu.memory_space<hbm>> -> memref<64x768xf32, #tpu.memory_space<hbm>>
      %dma_start3A_9 = arith.constant 0 : i32
      %dma_start3A_10 = tpu.memref_slice %arg2[%mul3A_2, %dma_start3A_9] : memref<2048x768xf32, #tpu.memory_space<hbm>> -> memref<64x768xf32, #tpu.memory_space<hbm>>
      tpu.enqueue_dma source(%dma_start3A_10 : memref<64x768xf32, #tpu.memory_space<hbm>>) target(%arg6 : memref<64x768xf32, #tpu.memory_space<vmem>>) target_semaphore(%run_scoped3A : memref<!tpu.dma_semaphore, #tpu.memory_space<semaphore_mem>>)
      %dma_wait3A_11 = arith.constant 0 : i32
      %dma_wait3A_12 = tpu.memref_slice %arg2[%mul3A_2, %dma_wait3A_11] : memref<2048x768xf32, #tpu.memory_space<hbm>> -> memref<64x768xf32, #tpu.memory_space<hbm>>
      %dma_wait3A_13 = arith.constant 0 : i32
      %dma_wait3A_14 = tpu.memref_slice %arg2[%mul3A_2, %dma_wait3A_13] : memref<2048x768xf32, #tpu.memory_space<hbm>> -> memref<64x768xf32, #tpu.memory_space<hbm>>
      tpu.wait_dma2 semaphore(%run_scoped3A : memref<!tpu.dma_semaphore, #tpu.memory_space<semaphore_mem>>) src(%dma_wait3A_14 : memref<64x768xf32, #tpu.memory_space<hbm>>) dst(%arg6 : memref<64x768xf32, #tpu.memory_space<vmem>>)
      tpu.yield
    }) : () -> ()
    %dma_start3A = arith.constant 0 : i32
    %dma_start3A_3 = arith.constant 0 : i32
    %dma_start3A_4 = tpu.memref_slice %arg4[%dma_start3A, %dma_start3A_3] : memref<3072x768xf32, #tpu.memory_space<hbm>> -> memref<3072x768xf32, #tpu.memory_space<hbm>>
    tpu.enqueue_indirect_dma source(%arg6 : memref<64x768xf32, #tpu.memory_space<vmem>>) target(%dma_start3A_4 : memref<3072x768xf32, #tpu.memory_space<hbm>>) offsets(%arg5 : memref<64xi32, #tpu.memory_space<vmem>>) semaphore(%arg7 : memref<!tpu.dma_semaphore, #tpu.memory_space<semaphore_mem>>)
    %dma_wait3A = arith.constant 0 : i32
    %dma_wait3A_5 = arith.constant 0 : i32
    %dma_wait3A_6 = tpu.memref_slice %arg4[%dma_wait3A, %dma_wait3A_5] : memref<3072x768xf32, #tpu.memory_space<hbm>> -> memref<3072x768xf32, #tpu.memory_space<hbm>>
    tpu.wait_indirect_dma semaphore(%arg7 : memref<!tpu.dma_semaphore, #tpu.memory_space<semaphore_mem>>) src(%arg6 : memref<64x768xf32, #tpu.memory_space<vmem>>) dst(%dma_wait3A_6 : memref<3072x768xf32, #tpu.memory_space<hbm>>)
    return
  }
}

module attributes {stable_mosaic.version = 14 : i64} {
  func.func @_finalize_body(%arg0: i32, %arg1: memref<1x1x8xi32, #tpu.memory_space<vmem>>, %arg2: memref<1x1x2048xi32, #tpu.memory_space<vmem>>, %arg3: memref<1x1x2048xi32, #tpu.memory_space<vmem>>, %arg4: memref<1x1x2048xi32, #tpu.memory_space<vmem>>, %arg5: memref<1x1x24xi32, #tpu.memory_space<vmem>>, %arg6: memref<1x1x24xi32, #tpu.memory_space<vmem>>) attributes {dimension_semantics = [#tpu.dimension_semantics<arbitrary>], iteration_bounds = array<i64: 2>, scalar_prefetch = 0 : i64, scratch_operands = 0 : i64, tpu.core_type = #tpu.core_type<tc>, window_params = [{transform_indices = @transform_0, window_bounds = array<i64: 1, 1, 8>}, {transform_indices = @transform_1, window_bounds = array<i64: 1, 1, 2048>}, {transform_indices = @transform_2, window_bounds = array<i64: 1, 1, 2048>}, {transform_indices = @transform_3, window_bounds = array<i64: 1, 1, 2048>}, {transform_indices = @transform_4, window_bounds = array<i64: 1, 1, 24>}, {transform_indices = @transform_5, window_bounds = array<i64: 1, 1, 24>}]} {
    %get3A = arith.constant 0 : index
    %get3A_0 = arith.constant 0 : index
    %get3A_1 = arith.constant 0 : index
    %get3A_2 = vector.load %arg1[%get3A, %get3A_0, %get3A_1] : memref<1x1x8xi32, #tpu.memory_space<vmem>>, vector<1x1x8xi32>
    %get3A_3 = vector.shape_cast %get3A_2 : vector<1x1x8xi32> to vector<8xi32>
    %add3A = arith.constant 127 : i32
    %add3A_4 = vector.broadcast %add3A : i32 to vector<8xi32>
    %add3A_5 = arith.addi %get3A_3, %add3A_4 : vector<8xi32>
    %jit3A = arith.constant 128 : i32
    %div3A = vector.broadcast %jit3A : i32 to vector<8xi32>
    %div3A_6 = arith.divsi %add3A_5, %div3A : vector<8xi32>
    %sign3A = arith.constant 0 : i32
    %sign3A_7 = vector.broadcast %sign3A : i32 to vector<8xi32>
    %sign3A_8 = arith.cmpi sgt, %add3A_5, %sign3A_7 : vector<8xi32>
    %sign3A_9 = arith.extui %sign3A_8 : vector<8xi1> to vector<8xi32>
    %sign3A_10 = arith.constant 0 : i32
    %sign3A_11 = vector.broadcast %sign3A_10 : i32 to vector<8xi32>
    %sign3A_12 = arith.cmpi slt, %add3A_5, %sign3A_11 : vector<8xi32>
    %sign3A_13 = arith.extui %sign3A_12 : vector<8xi1> to vector<8xi32>
    %sign3A_14 = arith.subi %sign3A_9, %sign3A_13 : vector<8xi32>
    %sign3A_15 = arith.constant 0 : i32
    %sign3A_16 = arith.cmpi sgt, %jit3A, %sign3A_15 : i32
    %sign3A_17 = arith.extui %sign3A_16 : i1 to i32
    %sign3A_18 = arith.constant 0 : i32
    %sign3A_19 = arith.cmpi slt, %jit3A, %sign3A_18 : i32
    %sign3A_20 = arith.extui %sign3A_19 : i1 to i32
    %sign3A_21 = arith.subi %sign3A_17, %sign3A_20 : i32
    %ne3A = vector.broadcast %sign3A_21 : i32 to vector<8xi32>
    %ne3A_22 = arith.cmpi ne, %sign3A_14, %ne3A : vector<8xi32>
    %rem3A = vector.broadcast %jit3A : i32 to vector<8xi32>
    %rem3A_23 = arith.remsi %add3A_5, %rem3A : vector<8xi32>
    %ne3A_24 = arith.constant 0 : i32
    %ne3A_25 = vector.broadcast %ne3A_24 : i32 to vector<8xi32>
    %ne3A_26 = arith.cmpi ne, %rem3A_23, %ne3A_25 : vector<8xi32>
    %and3A = arith.andi %ne3A_22, %ne3A_26 : vector<8xi1>
    %sub3A = arith.constant 1 : i32
    %sub3A_27 = vector.broadcast %sub3A : i32 to vector<8xi32>
    %sub3A_28 = arith.subi %div3A_6, %sub3A_27 : vector<8xi32>
    %select_n3A = arith.select %and3A, %sub3A_28, %div3A_6 : vector<8xi1>, vector<8xi32>
    %mul3A = arith.constant 128 : i32
    %mul3A_29 = vector.broadcast %mul3A : i32 to vector<8xi32>
    %mul3A_30 = arith.muli %select_n3A, %mul3A_29 : vector<8xi32>
    %iota3A = tpu.iota {dimensions = array<i32: 0>} : vector<8x8xi32>
    %iota3A_31 = tpu.iota {dimensions = array<i32: 1>} : vector<8x8xi32>
    %lt3A = arith.cmpi slt, %iota3A_31, %iota3A : vector<8x8xi32>
    %convert_element_type3A = arith.extui %lt3A : vector<8x8xi1> to vector<8x8xi32>
    %convert_element_type3A_32 = arith.sitofp %convert_element_type3A : vector<8x8xi32> to vector<8x8xf32>
    %convert_element_type3A_33 = arith.sitofp %mul3A_30 : vector<8xi32> to vector<8xf32>
    %broadcast_in_dim3A = vector.shape_cast %convert_element_type3A_33 : vector<8xf32> to vector<1x8xf32>
    %mul3A_34 = vector.broadcast %broadcast_in_dim3A : vector<1x8xf32> to vector<8x8xf32>
    %mul3A_35 = arith.mulf %convert_element_type3A_32, %mul3A_34 : vector<8x8xf32>
    %reduce_sum3A = arith.constant dense<0.000000e+00> : vector<8xf32>
    %reduce_sum3A_36 = vector.multi_reduction <add>, %mul3A_35, %reduce_sum3A [1] : vector<8x8xf32> to vector<8xf32>
    %reduce_sum3A_37 = vector.shape_cast %select_n3A : vector<8xi32> to vector<1x8xi32>
    %reduce_sum3A_38 = arith.constant dense<0> : vector<1xi32>
    %reduce_sum3A_39 = vector.multi_reduction <add>, %reduce_sum3A_37, %reduce_sum3A_38 [1] : vector<1x8xi32> to vector<1xi32>
    %reduce_sum3A_40 = vector.shape_cast %reduce_sum3A_39 : vector<1xi32> to vector<1x1xi32>
    %reduce_sum3A_41 = vector.extract %reduce_sum3A_40[0, 0] : i32 from vector<1x1xi32>
    %iota3A_42 = tpu.iota {dimensions = array<i32: 1>} : vector<1x8xi32>
    %squeeze3A = vector.shape_cast %iota3A_42 : vector<1x8xi32> to vector<8xi32>
    %gt3A = arith.constant 0 : i32
    %gt3A_43 = vector.broadcast %gt3A : i32 to vector<8xi32>
    %gt3A_44 = arith.cmpi sgt, %get3A_3, %gt3A_43 : vector<8xi32>
    %jit3A_45 = arith.constant 0 : i32
    %broadcast_in_dim3A_46 = vector.broadcast %jit3A_45 : i32 to vector<8xi32>
    %select_n3A_47 = arith.select %gt3A_44, %squeeze3A, %broadcast_in_dim3A_46 : vector<8xi1>, vector<8xi32>
    %reduce_max3A = vector.shape_cast %select_n3A_47 : vector<8xi32> to vector<1x8xi32>
    %reduce_max3A_48 = arith.constant dense<-2147483648> : vector<1xi32>
    %reduce_max3A_49 = vector.multi_reduction <maxsi>, %reduce_max3A, %reduce_max3A_48 [1] : vector<1x8xi32> to vector<1xi32>
    %reduce_max3A_50 = vector.shape_cast %reduce_max3A_49 : vector<1xi32> to vector<1x1xi32>
    %reduce_max3A_51 = vector.extract %reduce_max3A_50[0, 0] : i32 from vector<1x1xi32>
    %get3A_52 = arith.constant 0 : index
    %get3A_53 = arith.constant 0 : index
    %get3A_54 = arith.constant 0 : index
    %get3A_55 = vector.load %arg2[%get3A_52, %get3A_53, %get3A_54] : memref<1x1x2048xi32, #tpu.memory_space<vmem>>, vector<1x1x2048xi32>
    %get3A_56 = vector.shape_cast %get3A_55 : vector<1x1x2048xi32> to vector<2048xi32>
    %get3A_57 = arith.constant 0 : index
    %get3A_58 = arith.constant 0 : index
    %get3A_59 = arith.constant 0 : index
    %get3A_60 = vector.load %arg3[%get3A_57, %get3A_58, %get3A_59] : memref<1x1x2048xi32, #tpu.memory_space<vmem>>, vector<1x1x2048xi32>
    %get3A_61 = vector.shape_cast %get3A_60 : vector<1x1x2048xi32> to vector<2048xi32>
    %iota3A_62 = tpu.iota {dimensions = array<i32: 1>} : vector<2048x8xi32>
    %broadcast_in_dim3A_63 = vector.shape_cast %get3A_56 : vector<2048xi32> to vector<2048x1xi32>
    %eq3A = vector.broadcast %broadcast_in_dim3A_63 : vector<2048x1xi32> to vector<2048x8xi32>
    %eq3A_64 = arith.cmpi eq, %iota3A_62, %eq3A : vector<2048x8xi32>
    %convert_element_type3A_65 = arith.extui %eq3A_64 : vector<2048x8xi1> to vector<2048x8xi32>
    %convert_element_type3A_66 = arith.sitofp %convert_element_type3A_65 : vector<2048x8xi32> to vector<2048x8xf32>
    %broadcast_in_dim3A_67 = vector.shape_cast %reduce_sum3A_36 : vector<8xf32> to vector<1x8xf32>
    %mul3A_68 = vector.broadcast %broadcast_in_dim3A_67 : vector<1x8xf32> to vector<2048x8xf32>
    %mul3A_69 = arith.mulf %convert_element_type3A_66, %mul3A_68 : vector<2048x8xf32>
    %reduce_sum3A_70 = arith.constant dense<0.000000e+00> : vector<2048xf32>
    %reduce_sum3A_71 = vector.multi_reduction <add>, %mul3A_69, %reduce_sum3A_70 [1] : vector<2048x8xf32> to vector<2048xf32>
    %convert_element_type3A_72 = arith.fptosi %reduce_sum3A_71 : vector<2048xf32> to vector<2048xi32>
    %add3A_73 = arith.addi %get3A_61, %convert_element_type3A_72 : vector<2048xi32>
    %swap3A = arith.constant 0 : index
    %swap3A_74 = arith.constant 0 : index
    %swap3A_75 = arith.constant 0 : index
    %swap3A_76 = vector.load %arg4[%swap3A, %swap3A_74, %swap3A_75] : memref<1x1x2048xi32, #tpu.memory_space<vmem>>, vector<1x1x2048xi32>
    %swap3A_77 = vector.shape_cast %swap3A_76 : vector<1x1x2048xi32> to vector<2048xi32>
    %swap3A_78 = vector.shape_cast %add3A_73 : vector<2048xi32> to vector<1x1x2048xi32>
    tpu.vector_store %arg4[%swap3A, %swap3A_74, %swap3A_75], %swap3A_78 {strides = array<i32>} : memref<1x1x2048xi32, #tpu.memory_space<vmem>>, vector<1x1x2048xi32>,
    %iota3A_79 = tpu.iota {dimensions = array<i32: 0>} : vector<24x8xi32>
    %mul3A_80 = arith.constant 128 : i32
    %mul3A_81 = vector.broadcast %mul3A_80 : i32 to vector<24x8xi32>
    %mul3A_82 = arith.muli %iota3A_79, %mul3A_81 : vector<24x8xi32>
    %broadcast_in_dim3A_83 = vector.shape_cast %reduce_sum3A_36 : vector<8xf32> to vector<1x8xf32>
    %broadcast_in_dim3A_84 = vector.shape_cast %broadcast_in_dim3A_83 : vector<1x8xf32> to vector<1x8xf32>
    %broadcast_in_dim3A_85 = vector.broadcast %broadcast_in_dim3A_84 : vector<1x8xf32> to vector<24x8xf32>
    %convert_element_type3A_86 = arith.sitofp %mul3A_82 : vector<24x8xi32> to vector<24x8xf32>
    %le3A = arith.cmpf ole, %broadcast_in_dim3A_85, %convert_element_type3A_86 : vector<24x8xf32>
    %convert_element_type3A_87 = arith.extui %le3A : vector<24x8xi1> to vector<24x8xi32>
    %reduce_sum3A_88 = arith.constant dense<0> : vector<24xi32>
    %reduce_sum3A_89 = vector.multi_reduction <add>, %convert_element_type3A_87, %reduce_sum3A_88 [1] : vector<24x8xi32> to vector<24xi32>
    %sub3A_90 = arith.constant 1 : i32
    %sub3A_91 = vector.broadcast %sub3A_90 : i32 to vector<24xi32>
    %sub3A_92 = arith.subi %reduce_sum3A_89, %sub3A_91 : vector<24xi32>
    %iota3A_93 = tpu.iota {dimensions = array<i32: 1>} : vector<1x24xi32>
    %squeeze3A_94 = vector.shape_cast %iota3A_93 : vector<1x24xi32> to vector<24xi32>
    %lt3A_95 = vector.broadcast %reduce_sum3A_41 : i32 to vector<24xi32>
    %lt3A_96 = arith.cmpi slt, %squeeze3A_94, %lt3A_95 : vector<24xi32>
    %jit3A_97 = arith.constant 0 : i32
    %jit3A_98 = arith.constant 7 : i32
    %max3A = vector.broadcast %jit3A_97 : i32 to vector<24xi32>
    %max3A_99 = arith.maxsi %max3A, %sub3A_92 : vector<24xi32>
    %min3A = vector.broadcast %jit3A_98 : i32 to vector<24xi32>
    %min3A_100 = arith.minsi %min3A, %max3A_99 : vector<24xi32>
    %broadcast_in_dim3A_101 = vector.broadcast %reduce_max3A_51 : i32 to vector<24xi32>
    %select_n3A_102 = arith.select %lt3A_96, %min3A_100, %broadcast_in_dim3A_101 : vector<24xi1>, vector<24xi32>
    %swap3A_103 = arith.constant 0 : index
    %swap3A_104 = arith.constant 0 : index
    %swap3A_105 = arith.constant 0 : index
    %swap3A_106 = vector.load %arg5[%swap3A_103, %swap3A_104, %swap3A_105] : memref<1x1x24xi32, #tpu.memory_space<vmem>>, vector<1x1x24xi32>
    %swap3A_107 = vector.shape_cast %swap3A_106 : vector<1x1x24xi32> to vector<24xi32>
    %swap3A_108 = vector.shape_cast %select_n3A_102 : vector<24xi32> to vector<1x1x24xi32>
    tpu.vector_store %arg5[%swap3A_103, %swap3A_104, %swap3A_105], %swap3A_108 {strides = array<i32>} : memref<1x1x24xi32, #tpu.memory_space<vmem>>, vector<1x1x24xi32>,
    %broadcast_in_dim3A_109 = vector.broadcast %reduce_sum3A_41 : i32 to vector<24xi32>
    %swap3A_110 = arith.constant 0 : index
    %swap3A_111 = arith.constant 0 : index
    %swap3A_112 = arith.constant 0 : index
    %swap3A_113 = vector.load %arg6[%swap3A_110, %swap3A_111, %swap3A_112] : memref<1x1x24xi32, #tpu.memory_space<vmem>>, vector<1x1x24xi32>
    %swap3A_114 = vector.shape_cast %swap3A_113 : vector<1x1x24xi32> to vector<24xi32>
    %swap3A_115 = vector.shape_cast %broadcast_in_dim3A_109 : vector<24xi32> to vector<1x1x24xi32>
    tpu.vector_store %arg6[%swap3A_110, %swap3A_111, %swap3A_112], %swap3A_115 {strides = array<i32>} : memref<1x1x24xi32, #tpu.memory_space<vmem>>, vector<1x1x24xi32>,
    return
  }
  func.func @transform_0(%arg0: i32) -> (i32, i32, i32) {
    %c0_i32 = arith.constant 0 : i32
    %c0_i32_0 = arith.constant 0 : i32
    %c0_i32_1 = arith.constant 0 : i32
    return %arg0, %c0_i32, %c0_i32_0 : i32, i32, i32
  }
  func.func @transform_1(%arg0: i32) -> (i32, i32, i32) {
    %c0_i32 = arith.constant 0 : i32
    %c0_i32_0 = arith.constant 0 : i32
    %c0_i32_1 = arith.constant 0 : i32
    return %arg0, %c0_i32, %c0_i32_0 : i32, i32, i32
  }
  func.func @transform_2(%arg0: i32) -> (i32, i32, i32) {
    %c0_i32 = arith.constant 0 : i32
    %c0_i32_0 = arith.constant 0 : i32
    %c0_i32_1 = arith.constant 0 : i32
    return %arg0, %c0_i32, %c0_i32_0 : i32, i32, i32
  }
  func.func @transform_3(%arg0: i32) -> (i32, i32, i32) {
    %c0_i32 = arith.constant 0 : i32
    %c0_i32_0 = arith.constant 0 : i32
    %c0_i32_1 = arith.constant 0 : i32
    return %arg0, %c0_i32, %c0_i32_0 : i32, i32, i32
  }
  func.func @transform_4(%arg0: i32) -> (i32, i32, i32) {
    %c0_i32 = arith.constant 0 : i32
    %c0_i32_0 = arith.constant 0 : i32
    %c0_i32_1 = arith.constant 0 : i32
    return %arg0, %c0_i32, %c0_i32_0 : i32, i32, i32
  }
  func.func @transform_5(%arg0: i32) -> (i32, i32, i32) {
    %c0_i32 = arith.constant 0 : i32
    %c0_i32_0 = arith.constant 0 : i32
    %c0_i32_1 = arith.constant 0 : i32
    return %arg0, %c0_i32, %c0_i32_0 : i32, i32, i32
  }
}

module attributes {stable_mosaic.version = 14 : i64} {
  func.func @_routing_body(%arg0: i32, %arg1: memref<1x256x768xf32, #tpu.memory_space<vmem>>, %arg2: memref<2x1x768xf32, #tpu.memory_space<vmem>>, %arg3: memref<2x1x768xf32, #tpu.memory_space<vmem>>, %arg4: memref<2x768x8xf32, #tpu.memory_space<vmem>>, %arg5: memref<2x1x8xf32, #tpu.memory_space<vmem>>, %arg6: memref<2x1x256xf32, #tpu.memory_space<vmem>>, %arg7: memref<2x1x256xi32, #tpu.memory_space<vmem>>, %arg8: memref<2x1x256xi32, #tpu.memory_space<vmem>>, %arg9: memref<2x1x8xi32, #tpu.memory_space<vmem>>, %arg10: memref<2x8xf32, #tpu.memory_space<vmem>>) attributes {dimension_semantics = [#tpu.dimension_semantics<arbitrary>], iteration_bounds = array<i64: 8>, scalar_prefetch = 0 : i64, scratch_operands = 1 : i64, tpu.core_type = #tpu.core_type<tc>, window_params = [{transform_indices = @transform_0, window_bounds = array<i64: 1, 256, 768>}, {pipeline_mode = #tpu.pipeline_mode<synchronous>, transform_indices = @transform_1, window_bounds = array<i64: 2, 1, 768>}, {pipeline_mode = #tpu.pipeline_mode<synchronous>, transform_indices = @transform_2, window_bounds = array<i64: 2, 1, 768>}, {pipeline_mode = #tpu.pipeline_mode<synchronous>, transform_indices = @transform_3, window_bounds = array<i64: 2, 768, 8>}, {pipeline_mode = #tpu.pipeline_mode<synchronous>, transform_indices = @transform_4, window_bounds = array<i64: 2, 1, 8>}, {transform_indices = @transform_5, window_bounds = array<i64: 2, 1, 256>}, {transform_indices = @transform_6, window_bounds = array<i64: 2, 1, 256>}, {transform_indices = @transform_7, window_bounds = array<i64: 2, 1, 256>}, {pipeline_mode = #tpu.pipeline_mode<synchronous>, transform_indices = @transform_8, window_bounds = array<i64: 2, 1, 8>}]} {
    %eq3A = arith.constant 0 : i32
    %eq3A_0 = arith.cmpi eq, %arg0, %eq3A : i32
    %convert_element_type3A = arith.extui %eq3A_0 : i1 to i32
    %cond3A = arith.constant 0 : i32
    %cond3A_1 = arith.cmpi ne, %convert_element_type3A, %cond3A : i32
    scf.if %cond3A_1 {
      %broadcast_in_dim3A_225 = arith.constant 0.000000e+00 : f32
      %broadcast_in_dim3A_226 = vector.broadcast %broadcast_in_dim3A_225 : f32 to vector<2x8xf32>
      %swap3A_227 = arith.constant 0 : index
      %swap3A_228 = arith.constant 0 : index
      %swap3A_229 = vector.load %arg10[%swap3A_227, %swap3A_228] : memref<2x8xf32, #tpu.memory_space<vmem>>, vector<2x8xf32>
      tpu.vector_store %arg10[%swap3A_227, %swap3A_228], %broadcast_in_dim3A_226 {strides = array<i32>} : memref<2x8xf32, #tpu.memory_space<vmem>>, vector<2x8xf32>,
    } else {
    }
    %get3A = arith.constant 0 : index
    %get3A_2 = arith.constant 0 : index
    %get3A_3 = arith.constant 0 : index
    %get3A_4 = vector.load %arg1[%get3A, %get3A_2, %get3A_3] : memref<1x256x768xf32, #tpu.memory_space<vmem>>, vector<1x256x768xf32>
    %get3A_5 = vector.shape_cast %get3A_4 : vector<1x256x768xf32> to vector<256x768xf32>
    %reduce_sum3A = arith.constant dense<0.000000e+00> : vector<256xf32>
    %reduce_sum3A_6 = vector.multi_reduction <add>, %get3A_5, %reduce_sum3A [1] : vector<256x768xf32> to vector<256xf32>
    %broadcast_in_dim3A = vector.shape_cast %reduce_sum3A_6 : vector<256xf32> to vector<256x1xf32>
    %div3A = arith.constant 7.680000e+02 : f32
    %div3A_7 = vector.broadcast %div3A : f32 to vector<256x1xf32>
    %div3A_8 = arith.divf %broadcast_in_dim3A, %div3A_7 : vector<256x1xf32>
    %sub3A = vector.broadcast %div3A_8 : vector<256x1xf32> to vector<256x768xf32>
    %sub3A_9 = arith.subf %get3A_5, %sub3A : vector<256x768xf32>
    %integer_pow3A = arith.mulf %sub3A_9, %sub3A_9 : vector<256x768xf32>
    %reduce_sum3A_10 = arith.constant dense<0.000000e+00> : vector<256xf32>
    %reduce_sum3A_11 = vector.multi_reduction <add>, %integer_pow3A, %reduce_sum3A_10 [1] : vector<256x768xf32> to vector<256xf32>
    %broadcast_in_dim3A_12 = vector.shape_cast %reduce_sum3A_11 : vector<256xf32> to vector<256x1xf32>
    %div3A_13 = arith.constant 7.680000e+02 : f32
    %div3A_14 = vector.broadcast %div3A_13 : f32 to vector<256x1xf32>
    %div3A_15 = arith.divf %broadcast_in_dim3A_12, %div3A_14 : vector<256x1xf32>
    %sub3A_16 = vector.broadcast %div3A_8 : vector<256x1xf32> to vector<256x768xf32>
    %sub3A_17 = arith.subf %get3A_5, %sub3A_16 : vector<256x768xf32>
    %add3A = arith.constant 9.99999974E-6 : f32
    %add3A_18 = vector.broadcast %add3A : f32 to vector<256x1xf32>
    %add3A_19 = arith.addf %div3A_15, %add3A_18 : vector<256x1xf32>
    %sqrt3A = math.sqrt %add3A_19 : vector<256x1xf32>
    %div3A_20 = vector.broadcast %sqrt3A : vector<256x1xf32> to vector<256x768xf32>
    %div3A_21 = arith.divf %sub3A_17, %div3A_20 : vector<256x768xf32>
    %iota3A = tpu.iota {dimensions = array<i32: 0>} : vector<256x256xi32>
    %iota3A_22 = tpu.iota {dimensions = array<i32: 1>} : vector<256x256xi32>
    %lt3A = arith.cmpi slt, %iota3A_22, %iota3A : vector<256x256xi32>
    %convert_element_type3A_23 = arith.extui %lt3A : vector<256x256xi1> to vector<256x256xi32>
    %convert_element_type3A_24 = arith.sitofp %convert_element_type3A_23 : vector<256x256xi32> to vector<256x256xf32>
    %iota3A_25 = tpu.iota {dimensions = array<i32: 1>} : vector<256x8xi32>
    %get3A_26 = arith.constant 0 : index
    %get3A_27 = arith.constant 0 : index
    %get3A_28 = arith.constant 0 : index
    %get3A_29 = vector.load %arg2[%get3A_26, %get3A_27, %get3A_28] : memref<2x1x768xf32, #tpu.memory_space<vmem>>, vector<1x1x768xf32>
    %get3A_30 = vector.shape_cast %get3A_29 : vector<1x1x768xf32> to vector<768xf32>
    %broadcast_in_dim3A_31 = vector.shape_cast %get3A_30 : vector<768xf32> to vector<1x768xf32>
    %mul3A = vector.broadcast %broadcast_in_dim3A_31 : vector<1x768xf32> to vector<256x768xf32>
    %mul3A_32 = arith.mulf %div3A_21, %mul3A : vector<256x768xf32>
    %get3A_33 = arith.constant 0 : index
    %get3A_34 = arith.constant 0 : index
    %get3A_35 = arith.constant 0 : index
    %get3A_36 = vector.load %arg3[%get3A_33, %get3A_34, %get3A_35] : memref<2x1x768xf32, #tpu.memory_space<vmem>>, vector<1x1x768xf32>
    %get3A_37 = vector.shape_cast %get3A_36 : vector<1x1x768xf32> to vector<768xf32>
    %broadcast_in_dim3A_38 = vector.shape_cast %get3A_37 : vector<768xf32> to vector<1x768xf32>
    %add3A_39 = vector.broadcast %broadcast_in_dim3A_38 : vector<1x768xf32> to vector<256x768xf32>
    %add3A_40 = arith.addf %mul3A_32, %add3A_39 : vector<256x768xf32>
    %get3A_41 = arith.constant 0 : index
    %get3A_42 = arith.constant 0 : index
    %get3A_43 = arith.constant 0 : index
    %get3A_44 = vector.load %arg4[%get3A_41, %get3A_42, %get3A_43] : memref<2x768x8xf32, #tpu.memory_space<vmem>>, vector<1x768x8xf32>
    %get3A_45 = vector.shape_cast %get3A_44 : vector<1x768x8xf32> to vector<768x8xf32>
    %dot_general3A = arith.constant dense<0.000000e+00> : vector<256x8xf32>
    %dot_general3A_46 = tpu.matmul %add3A_40, %get3A_45, %dot_general3A {dimension_numbers = #tpu.dot_dimension_numbers<[1], [0], [0], [1], [0, 0, 1, 1], [], []>, transpose_lhs_hint = false} : vector<256x768xf32>, vector<768x8xf32>, vector<256x8xf32> -> vector<256x8xf32>
    %get3A_47 = arith.constant 0 : index
    %get3A_48 = arith.constant 0 : index
    %get3A_49 = arith.constant 0 : index
    %get3A_50 = vector.load %arg5[%get3A_47, %get3A_48, %get3A_49] : memref<2x1x8xf32, #tpu.memory_space<vmem>>, vector<1x1x8xf32>
    %get3A_51 = vector.shape_cast %get3A_50 : vector<1x1x8xf32> to vector<8xf32>
    %broadcast_in_dim3A_52 = vector.shape_cast %get3A_51 : vector<8xf32> to vector<1x8xf32>
    %add3A_53 = vector.broadcast %broadcast_in_dim3A_52 : vector<1x8xf32> to vector<256x8xf32>
    %add3A_54 = arith.addf %dot_general3A_46, %add3A_53 : vector<256x8xf32>
    %reduce_max3A = arith.constant dense<0xFF800000> : vector<256xf32>
    %reduce_max3A_55 = vector.multi_reduction <maximumf>, %add3A_54, %reduce_max3A [1] : vector<256x8xf32> to vector<256xf32>
    %broadcast_in_dim3A_56 = vector.shape_cast %reduce_max3A_55 : vector<256xf32> to vector<256x1xf32>
    %sub3A_57 = vector.broadcast %broadcast_in_dim3A_56 : vector<256x1xf32> to vector<256x8xf32>
    %sub3A_58 = arith.subf %add3A_54, %sub3A_57 : vector<256x8xf32>
    %exp3A = math.exp %sub3A_58 : vector<256x8xf32>
    %reduce_sum3A_59 = arith.constant dense<0.000000e+00> : vector<256xf32>
    %reduce_sum3A_60 = vector.multi_reduction <add>, %exp3A, %reduce_sum3A_59 [1] : vector<256x8xf32> to vector<256xf32>
    %broadcast_in_dim3A_61 = vector.shape_cast %reduce_sum3A_60 : vector<256xf32> to vector<256x1xf32>
    %div3A_62 = vector.broadcast %broadcast_in_dim3A_61 : vector<256x1xf32> to vector<256x8xf32>
    %div3A_63 = arith.divf %exp3A, %div3A_62 : vector<256x8xf32>
    %reduce_max3A_64 = arith.constant dense<0xFF800000> : vector<256xf32>
    %reduce_max3A_65 = vector.multi_reduction <maximumf>, %div3A_63, %reduce_max3A_64 [1] : vector<256x8xf32> to vector<256xf32>
    %broadcast_in_dim3A_66 = vector.shape_cast %reduce_max3A_65 : vector<256xf32> to vector<256x1xf32>
    %eq3A_67 = vector.broadcast %broadcast_in_dim3A_66 : vector<256x1xf32> to vector<256x8xf32>
    %eq3A_68 = arith.cmpf oeq, %div3A_63, %eq3A_67 : vector<256x8xf32>
    %jit3A = arith.constant 8 : i32
    %broadcast_in_dim3A_69 = vector.broadcast %jit3A : i32 to vector<256x8xi32>
    %select_n3A = arith.select %eq3A_68, %iota3A_25, %broadcast_in_dim3A_69 : vector<256x8xi1>, vector<256x8xi32>
    %reduce_min3A = arith.constant dense<2147483647> : vector<256xi32>
    %reduce_min3A_70 = vector.multi_reduction <minsi>, %select_n3A, %reduce_min3A [1] : vector<256x8xi32> to vector<256xi32>
    %broadcast_in_dim3A_71 = vector.shape_cast %reduce_min3A_70 : vector<256xi32> to vector<256x1xi32>
    %eq3A_72 = vector.broadcast %broadcast_in_dim3A_71 : vector<256x1xi32> to vector<256x8xi32>
    %eq3A_73 = arith.cmpi eq, %iota3A_25, %eq3A_72 : vector<256x8xi32>
    %convert_element_type3A_74 = arith.extui %eq3A_73 : vector<256x8xi1> to vector<256x8xi32>
    %convert_element_type3A_75 = arith.sitofp %convert_element_type3A_74 : vector<256x8xi32> to vector<256x8xf32>
    %dot_general3A_76 = arith.constant dense<0.000000e+00> : vector<256x8xf32>
    %dot_general3A_77 = tpu.matmul %convert_element_type3A_24, %convert_element_type3A_75, %dot_general3A_76 {dimension_numbers = #tpu.dot_dimension_numbers<[1], [0], [0], [1], [0, 0, 1, 1], [], []>, transpose_lhs_hint = false} : vector<256x256xf32>, vector<256x8xf32>, vector<256x8xf32> -> vector<256x8xf32>
    %get3A_78 = arith.constant 0 : index
    %get3A_79 = arith.constant 0 : index
    %get3A_80 = vector.load %arg10[%get3A_78, %get3A_79] : memref<2x8xf32, #tpu.memory_space<vmem>>, vector<1x8xf32>
    %get3A_81 = vector.shape_cast %get3A_80 : vector<1x8xf32> to vector<8xf32>
    %broadcast_in_dim3A_82 = vector.shape_cast %get3A_81 : vector<8xf32> to vector<1x8xf32>
    %add3A_83 = vector.broadcast %broadcast_in_dim3A_82 : vector<1x8xf32> to vector<256x8xf32>
    %add3A_84 = arith.addf %dot_general3A_77, %add3A_83 : vector<256x8xf32>
    %mul3A_85 = arith.mulf %convert_element_type3A_75, %add3A_84 : vector<256x8xf32>
    %reduce_sum3A_86 = arith.constant dense<0.000000e+00> : vector<256xf32>
    %reduce_sum3A_87 = vector.multi_reduction <add>, %mul3A_85, %reduce_sum3A_86 [1] : vector<256x8xf32> to vector<256xf32>
    %swap3A = arith.constant 0 : index
    %swap3A_88 = arith.constant 0 : index
    %swap3A_89 = arith.constant 0 : index
    %swap3A_90 = vector.load %arg6[%swap3A, %swap3A_88, %swap3A_89] : memref<2x1x256xf32, #tpu.memory_space<vmem>>, vector<1x1x256xf32>
    %swap3A_91 = vector.shape_cast %swap3A_90 : vector<1x1x256xf32> to vector<256xf32>
    %swap3A_92 = vector.shape_cast %reduce_max3A_65 : vector<256xf32> to vector<1x1x256xf32>
    tpu.vector_store %arg6[%swap3A, %swap3A_88, %swap3A_89], %swap3A_92 {strides = array<i32>} : memref<2x1x256xf32, #tpu.memory_space<vmem>>, vector<1x1x256xf32>,
    %swap3A_93 = arith.constant 0 : index
    %swap3A_94 = arith.constant 0 : index
    %swap3A_95 = arith.constant 0 : index
    %swap3A_96 = vector.load %arg7[%swap3A_93, %swap3A_94, %swap3A_95] : memref<2x1x256xi32, #tpu.memory_space<vmem>>, vector<1x1x256xi32>
    %swap3A_97 = vector.shape_cast %swap3A_96 : vector<1x1x256xi32> to vector<256xi32>
    %swap3A_98 = vector.shape_cast %reduce_min3A_70 : vector<256xi32> to vector<1x1x256xi32>
    tpu.vector_store %arg7[%swap3A_93, %swap3A_94, %swap3A_95], %swap3A_98 {strides = array<i32>} : memref<2x1x256xi32, #tpu.memory_space<vmem>>, vector<1x1x256xi32>,
    %convert_element_type3A_99 = arith.fptosi %reduce_sum3A_87 : vector<256xf32> to vector<256xi32>
    %swap3A_100 = arith.constant 0 : index
    %swap3A_101 = arith.constant 0 : index
    %swap3A_102 = arith.constant 0 : index
    %swap3A_103 = vector.load %arg8[%swap3A_100, %swap3A_101, %swap3A_102] : memref<2x1x256xi32, #tpu.memory_space<vmem>>, vector<1x1x256xi32>
    %swap3A_104 = vector.shape_cast %swap3A_103 : vector<1x1x256xi32> to vector<256xi32>
    %swap3A_105 = vector.shape_cast %convert_element_type3A_99 : vector<256xi32> to vector<1x1x256xi32>
    tpu.vector_store %arg8[%swap3A_100, %swap3A_101, %swap3A_102], %swap3A_105 {strides = array<i32>} : memref<2x1x256xi32, #tpu.memory_space<vmem>>, vector<1x1x256xi32>,
    %squeeze3A = vector.shape_cast %broadcast_in_dim3A_82 : vector<1x8xf32> to vector<8xf32>
    %reduce_sum3A_106 = arith.constant dense<0.000000e+00> : vector<8xf32>
    %reduce_sum3A_107 = vector.multi_reduction <add>, %convert_element_type3A_75, %reduce_sum3A_106 [0] : vector<256x8xf32> to vector<8xf32>
    %add3A_108 = arith.addf %squeeze3A, %reduce_sum3A_107 : vector<8xf32>
    %swap3A_109 = arith.constant 0 : index
    %swap3A_110 = arith.constant 0 : index
    %swap3A_111 = vector.load %arg10[%swap3A_109, %swap3A_110] : memref<2x8xf32, #tpu.memory_space<vmem>>, vector<1x8xf32>
    %swap3A_112 = vector.shape_cast %swap3A_111 : vector<1x8xf32> to vector<8xf32>
    %swap3A_113 = vector.shape_cast %add3A_108 : vector<8xf32> to vector<1x8xf32>
    tpu.vector_store %arg10[%swap3A_109, %swap3A_110], %swap3A_113 {strides = array<i32>} : memref<2x8xf32, #tpu.memory_space<vmem>>, vector<1x8xf32>,
    %convert_element_type3A_114 = arith.fptosi %add3A_108 : vector<8xf32> to vector<8xi32>
    %swap3A_115 = arith.constant 0 : index
    %swap3A_116 = arith.constant 0 : index
    %swap3A_117 = arith.constant 0 : index
    %swap3A_118 = vector.load %arg9[%swap3A_115, %swap3A_116, %swap3A_117] : memref<2x1x8xi32, #tpu.memory_space<vmem>>, vector<1x1x8xi32>
    %swap3A_119 = vector.shape_cast %swap3A_118 : vector<1x1x8xi32> to vector<8xi32>
    %swap3A_120 = vector.shape_cast %convert_element_type3A_114 : vector<8xi32> to vector<1x1x8xi32>
    tpu.vector_store %arg9[%swap3A_115, %swap3A_116, %swap3A_117], %swap3A_120 {strides = array<i32>} : memref<2x1x8xi32, #tpu.memory_space<vmem>>, vector<1x1x8xi32>,
    %get3A_121 = arith.constant 1 : index
    %get3A_122 = arith.constant 0 : index
    %get3A_123 = arith.constant 0 : index
    %get3A_124 = vector.load %arg2[%get3A_121, %get3A_122, %get3A_123] : memref<2x1x768xf32, #tpu.memory_space<vmem>>, vector<1x1x768xf32>
    %get3A_125 = vector.shape_cast %get3A_124 : vector<1x1x768xf32> to vector<768xf32>
    %broadcast_in_dim3A_126 = vector.shape_cast %get3A_125 : vector<768xf32> to vector<1x768xf32>
    %mul3A_127 = vector.broadcast %broadcast_in_dim3A_126 : vector<1x768xf32> to vector<256x768xf32>
    %mul3A_128 = arith.mulf %div3A_21, %mul3A_127 : vector<256x768xf32>
    %get3A_129 = arith.constant 1 : index
    %get3A_130 = arith.constant 0 : index
    %get3A_131 = arith.constant 0 : index
    %get3A_132 = vector.load %arg3[%get3A_129, %get3A_130, %get3A_131] : memref<2x1x768xf32, #tpu.memory_space<vmem>>, vector<1x1x768xf32>
    %get3A_133 = vector.shape_cast %get3A_132 : vector<1x1x768xf32> to vector<768xf32>
    %broadcast_in_dim3A_134 = vector.shape_cast %get3A_133 : vector<768xf32> to vector<1x768xf32>
    %add3A_135 = vector.broadcast %broadcast_in_dim3A_134 : vector<1x768xf32> to vector<256x768xf32>
    %add3A_136 = arith.addf %mul3A_128, %add3A_135 : vector<256x768xf32>
    %get3A_137 = arith.constant 1 : index
    %get3A_138 = arith.constant 0 : index
    %get3A_139 = arith.constant 0 : index
    %get3A_140 = vector.load %arg4[%get3A_137, %get3A_138, %get3A_139] : memref<2x768x8xf32, #tpu.memory_space<vmem>>, vector<1x768x8xf32>
    %get3A_141 = vector.shape_cast %get3A_140 : vector<1x768x8xf32> to vector<768x8xf32>
    %dot_general3A_142 = arith.constant dense<0.000000e+00> : vector<256x8xf32>
    %dot_general3A_143 = tpu.matmul %add3A_136, %get3A_141, %dot_general3A_142 {dimension_numbers = #tpu.dot_dimension_numbers<[1], [0], [0], [1], [0, 0, 1, 1], [], []>, transpose_lhs_hint = false} : vector<256x768xf32>, vector<768x8xf32>, vector<256x8xf32> -> vector<256x8xf32>
    %get3A_144 = arith.constant 1 : index
    %get3A_145 = arith.constant 0 : index
    %get3A_146 = arith.constant 0 : index
    %get3A_147 = vector.load %arg5[%get3A_144, %get3A_145, %get3A_146] : memref<2x1x8xf32, #tpu.memory_space<vmem>>, vector<1x1x8xf32>
    %get3A_148 = vector.shape_cast %get3A_147 : vector<1x1x8xf32> to vector<8xf32>
    %broadcast_in_dim3A_149 = vector.shape_cast %get3A_148 : vector<8xf32> to vector<1x8xf32>
    %add3A_150 = vector.broadcast %broadcast_in_dim3A_149 : vector<1x8xf32> to vector<256x8xf32>
    %add3A_151 = arith.addf %dot_general3A_143, %add3A_150 : vector<256x8xf32>
    %reduce_max3A_152 = arith.constant dense<0xFF800000> : vector<256xf32>
    %reduce_max3A_153 = vector.multi_reduction <maximumf>, %add3A_151, %reduce_max3A_152 [1] : vector<256x8xf32> to vector<256xf32>
    %broadcast_in_dim3A_154 = vector.shape_cast %reduce_max3A_153 : vector<256xf32> to vector<256x1xf32>
    %sub3A_155 = vector.broadcast %broadcast_in_dim3A_154 : vector<256x1xf32> to vector<256x8xf32>
    %sub3A_156 = arith.subf %add3A_151, %sub3A_155 : vector<256x8xf32>
    %exp3A_157 = math.exp %sub3A_156 : vector<256x8xf32>
    %reduce_sum3A_158 = arith.constant dense<0.000000e+00> : vector<256xf32>
    %reduce_sum3A_159 = vector.multi_reduction <add>, %exp3A_157, %reduce_sum3A_158 [1] : vector<256x8xf32> to vector<256xf32>
    %broadcast_in_dim3A_160 = vector.shape_cast %reduce_sum3A_159 : vector<256xf32> to vector<256x1xf32>
    %div3A_161 = vector.broadcast %broadcast_in_dim3A_160 : vector<256x1xf32> to vector<256x8xf32>
    %div3A_162 = arith.divf %exp3A_157, %div3A_161 : vector<256x8xf32>
    %reduce_max3A_163 = arith.constant dense<0xFF800000> : vector<256xf32>
    %reduce_max3A_164 = vector.multi_reduction <maximumf>, %div3A_162, %reduce_max3A_163 [1] : vector<256x8xf32> to vector<256xf32>
    %broadcast_in_dim3A_165 = vector.shape_cast %reduce_max3A_164 : vector<256xf32> to vector<256x1xf32>
    %eq3A_166 = vector.broadcast %broadcast_in_dim3A_165 : vector<256x1xf32> to vector<256x8xf32>
    %eq3A_167 = arith.cmpf oeq, %div3A_162, %eq3A_166 : vector<256x8xf32>
    %jit3A_168 = arith.constant 8 : i32
    %broadcast_in_dim3A_169 = vector.broadcast %jit3A_168 : i32 to vector<256x8xi32>
    %select_n3A_170 = arith.select %eq3A_167, %iota3A_25, %broadcast_in_dim3A_169 : vector<256x8xi1>, vector<256x8xi32>
    %reduce_min3A_171 = arith.constant dense<2147483647> : vector<256xi32>
    %reduce_min3A_172 = vector.multi_reduction <minsi>, %select_n3A_170, %reduce_min3A_171 [1] : vector<256x8xi32> to vector<256xi32>
    %broadcast_in_dim3A_173 = vector.shape_cast %reduce_min3A_172 : vector<256xi32> to vector<256x1xi32>
    %eq3A_174 = vector.broadcast %broadcast_in_dim3A_173 : vector<256x1xi32> to vector<256x8xi32>
    %eq3A_175 = arith.cmpi eq, %iota3A_25, %eq3A_174 : vector<256x8xi32>
    %convert_element_type3A_176 = arith.extui %eq3A_175 : vector<256x8xi1> to vector<256x8xi32>
    %convert_element_type3A_177 = arith.sitofp %convert_element_type3A_176 : vector<256x8xi32> to vector<256x8xf32>
    %dot_general3A_178 = arith.constant dense<0.000000e+00> : vector<256x8xf32>
    %dot_general3A_179 = tpu.matmul %convert_element_type3A_24, %convert_element_type3A_177, %dot_general3A_178 {dimension_numbers = #tpu.dot_dimension_numbers<[1], [0], [0], [1], [0, 0, 1, 1], [], []>, transpose_lhs_hint = false} : vector<256x256xf32>, vector<256x8xf32>, vector<256x8xf32> -> vector<256x8xf32>
    %get3A_180 = arith.constant 1 : index
    %get3A_181 = arith.constant 0 : index
    %get3A_182 = vector.load %arg10[%get3A_180, %get3A_181] : memref<2x8xf32, #tpu.memory_space<vmem>>, vector<1x8xf32>
    %get3A_183 = vector.shape_cast %get3A_182 : vector<1x8xf32> to vector<8xf32>
    %broadcast_in_dim3A_184 = vector.shape_cast %get3A_183 : vector<8xf32> to vector<1x8xf32>
    %add3A_185 = vector.broadcast %broadcast_in_dim3A_184 : vector<1x8xf32> to vector<256x8xf32>
    %add3A_186 = arith.addf %dot_general3A_179, %add3A_185 : vector<256x8xf32>
    %mul3A_187 = arith.mulf %convert_element_type3A_177, %add3A_186 : vector<256x8xf32>
    %reduce_sum3A_188 = arith.constant dense<0.000000e+00> : vector<256xf32>
    %reduce_sum3A_189 = vector.multi_reduction <add>, %mul3A_187, %reduce_sum3A_188 [1] : vector<256x8xf32> to vector<256xf32>
    %swap3A_190 = arith.constant 1 : index
    %swap3A_191 = arith.constant 0 : index
    %swap3A_192 = arith.constant 0 : index
    %swap3A_193 = vector.load %arg6[%swap3A_190, %swap3A_191, %swap3A_192] : memref<2x1x256xf32, #tpu.memory_space<vmem>>, vector<1x1x256xf32>
    %swap3A_194 = vector.shape_cast %swap3A_193 : vector<1x1x256xf32> to vector<256xf32>
    %swap3A_195 = vector.shape_cast %reduce_max3A_164 : vector<256xf32> to vector<1x1x256xf32>
    tpu.vector_store %arg6[%swap3A_190, %swap3A_191, %swap3A_192], %swap3A_195 {strides = array<i32>} : memref<2x1x256xf32, #tpu.memory_space<vmem>>, vector<1x1x256xf32>,
    %swap3A_196 = arith.constant 1 : index
    %swap3A_197 = arith.constant 0 : index
    %swap3A_198 = arith.constant 0 : index
    %swap3A_199 = vector.load %arg7[%swap3A_196, %swap3A_197, %swap3A_198] : memref<2x1x256xi32, #tpu.memory_space<vmem>>, vector<1x1x256xi32>
    %swap3A_200 = vector.shape_cast %swap3A_199 : vector<1x1x256xi32> to vector<256xi32>
    %swap3A_201 = vector.shape_cast %reduce_min3A_172 : vector<256xi32> to vector<1x1x256xi32>
    tpu.vector_store %arg7[%swap3A_196, %swap3A_197, %swap3A_198], %swap3A_201 {strides = array<i32>} : memref<2x1x256xi32, #tpu.memory_space<vmem>>, vector<1x1x256xi32>,
    %convert_element_type3A_202 = arith.fptosi %reduce_sum3A_189 : vector<256xf32> to vector<256xi32>
    %swap3A_203 = arith.constant 1 : index
    %swap3A_204 = arith.constant 0 : index
    %swap3A_205 = arith.constant 0 : index
    %swap3A_206 = vector.load %arg8[%swap3A_203, %swap3A_204, %swap3A_205] : memref<2x1x256xi32, #tpu.memory_space<vmem>>, vector<1x1x256xi32>
    %swap3A_207 = vector.shape_cast %swap3A_206 : vector<1x1x256xi32> to vector<256xi32>
    %swap3A_208 = vector.shape_cast %convert_element_type3A_202 : vector<256xi32> to vector<1x1x256xi32>
    tpu.vector_store %arg8[%swap3A_203, %swap3A_204, %swap3A_205], %swap3A_208 {strides = array<i32>} : memref<2x1x256xi32, #tpu.memory_space<vmem>>, vector<1x1x256xi32>,
    %squeeze3A_209 = vector.shape_cast %broadcast_in_dim3A_184 : vector<1x8xf32> to vector<8xf32>
    %reduce_sum3A_210 = arith.constant dense<0.000000e+00> : vector<8xf32>
    %reduce_sum3A_211 = vector.multi_reduction <add>, %convert_element_type3A_177, %reduce_sum3A_210 [0] : vector<256x8xf32> to vector<8xf32>
    %add3A_212 = arith.addf %squeeze3A_209, %reduce_sum3A_211 : vector<8xf32>
    %swap3A_213 = arith.constant 1 : index
    %swap3A_214 = arith.constant 0 : index
    %swap3A_215 = vector.load %arg10[%swap3A_213, %swap3A_214] : memref<2x8xf32, #tpu.memory_space<vmem>>, vector<1x8xf32>
    %swap3A_216 = vector.shape_cast %swap3A_215 : vector<1x8xf32> to vector<8xf32>
    %swap3A_217 = vector.shape_cast %add3A_212 : vector<8xf32> to vector<1x8xf32>
    tpu.vector_store %arg10[%swap3A_213, %swap3A_214], %swap3A_217 {strides = array<i32>} : memref<2x8xf32, #tpu.memory_space<vmem>>, vector<1x8xf32>,
    %convert_element_type3A_218 = arith.fptosi %add3A_212 : vector<8xf32> to vector<8xi32>
    %swap3A_219 = arith.constant 1 : index
    %swap3A_220 = arith.constant 0 : index
    %swap3A_221 = arith.constant 0 : index
    %swap3A_222 = vector.load %arg9[%swap3A_219, %swap3A_220, %swap3A_221] : memref<2x1x8xi32, #tpu.memory_space<vmem>>, vector<1x1x8xi32>
    %swap3A_223 = vector.shape_cast %swap3A_222 : vector<1x1x8xi32> to vector<8xi32>
    %swap3A_224 = vector.shape_cast %convert_element_type3A_218 : vector<8xi32> to vector<1x1x8xi32>
    tpu.vector_store %arg9[%swap3A_219, %swap3A_220, %swap3A_221], %swap3A_224 {strides = array<i32>} : memref<2x1x8xi32, #tpu.memory_space<vmem>>, vector<1x1x8xi32>,
    return
  }
  func.func @transform_0(%arg0: i32) -> (i32, i32, i32) {
    %c0_i32 = arith.constant 0 : i32
    %c0_i32_0 = arith.constant 0 : i32
    %c0_i32_1 = arith.constant 0 : i32
    return %c0_i32, %arg0, %c0_i32_0 : i32, i32, i32
  }
  func.func @transform_1(%arg0: i32) -> (i32, i32, i32) {
    %c0_i32 = arith.constant 0 : i32
    %c0_i32_0 = arith.constant 0 : i32
    %c0_i32_1 = arith.constant 0 : i32
    %c0_i32_2 = arith.constant 0 : i32
    return %c0_i32, %c0_i32_0, %c0_i32_1 : i32, i32, i32
  }
  func.func @transform_2(%arg0: i32) -> (i32, i32, i32) {
    %c0_i32 = arith.constant 0 : i32
    %c0_i32_0 = arith.constant 0 : i32
    %c0_i32_1 = arith.constant 0 : i32
    %c0_i32_2 = arith.constant 0 : i32
    return %c0_i32, %c0_i32_0, %c0_i32_1 : i32, i32, i32
  }
  func.func @transform_3(%arg0: i32) -> (i32, i32, i32) {
    %c0_i32 = arith.constant 0 : i32
    %c0_i32_0 = arith.constant 0 : i32
    %c0_i32_1 = arith.constant 0 : i32
    %c0_i32_2 = arith.constant 0 : i32
    return %c0_i32, %c0_i32_0, %c0_i32_1 : i32, i32, i32
  }
  func.func @transform_4(%arg0: i32) -> (i32, i32, i32) {
    %c0_i32 = arith.constant 0 : i32
    %c0_i32_0 = arith.constant 0 : i32
    %c0_i32_1 = arith.constant 0 : i32
    %c0_i32_2 = arith.constant 0 : i32
    return %c0_i32, %c0_i32_0, %c0_i32_1 : i32, i32, i32
  }
  func.func @transform_5(%arg0: i32) -> (i32, i32, i32) {
    %c0_i32 = arith.constant 0 : i32
    %c0_i32_0 = arith.constant 0 : i32
    %c0_i32_1 = arith.constant 0 : i32
    return %c0_i32, %c0_i32_0, %arg0 : i32, i32, i32
  }
  func.func @transform_6(%arg0: i32) -> (i32, i32, i32) {
    %c0_i32 = arith.constant 0 : i32
    %c0_i32_0 = arith.constant 0 : i32
    %c0_i32_1 = arith.constant 0 : i32
    return %c0_i32, %c0_i32_0, %arg0 : i32, i32, i32
  }
  func.func @transform_7(%arg0: i32) -> (i32, i32, i32) {
    %c0_i32 = arith.constant 0 : i32
    %c0_i32_0 = arith.constant 0 : i32
    %c0_i32_1 = arith.constant 0 : i32
    return %c0_i32, %c0_i32_0, %arg0 : i32, i32, i32
  }
  func.func @transform_8(%arg0: i32) -> (i32, i32, i32) {
    %c0_i32 = arith.constant 0 : i32
    %c0_i32_0 = arith.constant 0 : i32
    %c0_i32_1 = arith.constant 0 : i32
    %c0_i32_2 = arith.constant 0 : i32
    return %c0_i32, %c0_i32_0, %c0_i32_1 : i32, i32, i32
  }
}

module attributes {stable_mosaic.version = 14 : i64} {
  func.func @body(%arg0: i32, %arg1: memref<2x1x24xi32, #tpu.memory_space<smem>>, %arg2: memref<2x1x24xi32, #tpu.memory_space<smem>>, %arg3: memref<128x768xf32, #tpu.memory_space<vmem>>, %arg4: memref<1x1x768xf32, #tpu.memory_space<vmem>>, %arg5: memref<1x1x768xf32, #tpu.memory_space<vmem>>, %arg6: memref<1x1x768x1024xf32, #tpu.memory_space<vmem>>, %arg7: memref<1x1x1x1024xf32, #tpu.memory_space<vmem>>, %arg8: memref<1x1x1024x768xf32, #tpu.memory_space<vmem>>, %arg9: memref<1x1x1x768xf32, #tpu.memory_space<vmem>>, %arg10: memref<128x768xf32, #tpu.memory_space<vmem>>) attributes {dimension_semantics = [#tpu.dimension_semantics<arbitrary>], iteration_bounds = array<i64: 24>, scalar_prefetch = 2 : i64, scratch_operands = 0 : i64, tpu.core_type = #tpu.core_type<tc>, window_params = [{transform_indices = @transform_0, window_bounds = array<i64: 128, 768>}, {transform_indices = @transform_1, window_bounds = array<i64: 1, 1, 768>}, {transform_indices = @transform_2, window_bounds = array<i64: 1, 1, 768>}, {transform_indices = @transform_3, window_bounds = array<i64: 1, 1, 768, 1024>}, {transform_indices = @transform_4, window_bounds = array<i64: 1, 1, 1, 1024>}, {transform_indices = @transform_5, window_bounds = array<i64: 1, 1, 1024, 768>}, {transform_indices = @transform_6, window_bounds = array<i64: 1, 1, 1, 768>}, {transform_indices = @transform_7, window_bounds = array<i64: 128, 768>}]} {
    %get3A = arith.constant 1 : index
    %get3A_0 = arith.constant 0 : index
    %get3A_1 = arith.constant 0 : index
    %get3A_2 = memref.load %arg2[%get3A, %get3A_0, %get3A_1] : memref<2x1x24xi32, #tpu.memory_space<smem>>
    %lt3A = arith.cmpi slt, %arg0, %get3A_2 : i32
    %convert_element_type3A = arith.extui %lt3A : i1 to i32
    %cond3A = arith.constant 0 : i32
    %cond3A_3 = arith.cmpi ne, %convert_element_type3A, %cond3A : i32
    scf.if %cond3A_3 {
      %get3A_4 = arith.constant 0 : index
      %get3A_5 = arith.constant 0 : index
      %get3A_6 = vector.load %arg3[%get3A_4, %get3A_5] : memref<128x768xf32, #tpu.memory_space<vmem>>, vector<128x768xf32>
      %reduce_sum3A = arith.constant dense<0.000000e+00> : vector<128xf32>
      %reduce_sum3A_7 = vector.multi_reduction <add>, %get3A_6, %reduce_sum3A [1] : vector<128x768xf32> to vector<128xf32>
      %broadcast_in_dim3A = vector.shape_cast %reduce_sum3A_7 : vector<128xf32> to vector<128x1xf32>
      %div3A = arith.constant 7.680000e+02 : f32
      %div3A_8 = vector.broadcast %div3A : f32 to vector<128x1xf32>
      %div3A_9 = arith.divf %broadcast_in_dim3A, %div3A_8 : vector<128x1xf32>
      %sub3A = vector.broadcast %div3A_9 : vector<128x1xf32> to vector<128x768xf32>
      %sub3A_10 = arith.subf %get3A_6, %sub3A : vector<128x768xf32>
      %integer_pow3A = arith.mulf %sub3A_10, %sub3A_10 : vector<128x768xf32>
      %reduce_sum3A_11 = arith.constant dense<0.000000e+00> : vector<128xf32>
      %reduce_sum3A_12 = vector.multi_reduction <add>, %integer_pow3A, %reduce_sum3A_11 [1] : vector<128x768xf32> to vector<128xf32>
      %broadcast_in_dim3A_13 = vector.shape_cast %reduce_sum3A_12 : vector<128xf32> to vector<128x1xf32>
      %div3A_14 = arith.constant 7.680000e+02 : f32
      %div3A_15 = vector.broadcast %div3A_14 : f32 to vector<128x1xf32>
      %div3A_16 = arith.divf %broadcast_in_dim3A_13, %div3A_15 : vector<128x1xf32>
      %sub3A_17 = vector.broadcast %div3A_9 : vector<128x1xf32> to vector<128x768xf32>
      %sub3A_18 = arith.subf %get3A_6, %sub3A_17 : vector<128x768xf32>
      %add3A = arith.constant 9.99999974E-6 : f32
      %add3A_19 = vector.broadcast %add3A : f32 to vector<128x1xf32>
      %add3A_20 = arith.addf %div3A_16, %add3A_19 : vector<128x1xf32>
      %sqrt3A = math.sqrt %add3A_20 : vector<128x1xf32>
      %div3A_21 = vector.broadcast %sqrt3A : vector<128x1xf32> to vector<128x768xf32>
      %div3A_22 = arith.divf %sub3A_18, %div3A_21 : vector<128x768xf32>
      %get3A_23 = arith.constant 0 : index
      %get3A_24 = arith.constant 0 : index
      %get3A_25 = arith.constant 0 : index
      %get3A_26 = vector.load %arg4[%get3A_23, %get3A_24, %get3A_25] : memref<1x1x768xf32, #tpu.memory_space<vmem>>, vector<1x1x768xf32>
      %get3A_27 = vector.shape_cast %get3A_26 : vector<1x1x768xf32> to vector<768xf32>
      %broadcast_in_dim3A_28 = vector.shape_cast %get3A_27 : vector<768xf32> to vector<1x768xf32>
      %mul3A = vector.broadcast %broadcast_in_dim3A_28 : vector<1x768xf32> to vector<128x768xf32>
      %mul3A_29 = arith.mulf %div3A_22, %mul3A : vector<128x768xf32>
      %get3A_30 = arith.constant 0 : index
      %get3A_31 = arith.constant 0 : index
      %get3A_32 = arith.constant 0 : index
      %get3A_33 = vector.load %arg5[%get3A_30, %get3A_31, %get3A_32] : memref<1x1x768xf32, #tpu.memory_space<vmem>>, vector<1x1x768xf32>
      %get3A_34 = vector.shape_cast %get3A_33 : vector<1x1x768xf32> to vector<768xf32>
      %broadcast_in_dim3A_35 = vector.shape_cast %get3A_34 : vector<768xf32> to vector<1x768xf32>
      %add3A_36 = vector.broadcast %broadcast_in_dim3A_35 : vector<1x768xf32> to vector<128x768xf32>
      %add3A_37 = arith.addf %mul3A_29, %add3A_36 : vector<128x768xf32>
      %get3A_38 = arith.constant 0 : index
      %get3A_39 = arith.constant 0 : index
      %get3A_40 = arith.constant 0 : index
      %get3A_41 = arith.constant 0 : index
      %get3A_42 = vector.load %arg6[%get3A_38, %get3A_39, %get3A_40, %get3A_41] : memref<1x1x768x1024xf32, #tpu.memory_space<vmem>>, vector<1x1x768x1024xf32>
      %get3A_43 = vector.shape_cast %get3A_42 : vector<1x1x768x1024xf32> to vector<768x1024xf32>
      %dot_general3A = arith.constant dense<0.000000e+00> : vector<128x1024xf32>
      %dot_general3A_44 = tpu.matmul %add3A_37, %get3A_43, %dot_general3A {dimension_numbers = #tpu.dot_dimension_numbers<[1], [0], [0], [1], [0, 0, 1, 1], [], []>, transpose_lhs_hint = false} : vector<128x768xf32>, vector<768x1024xf32>, vector<128x1024xf32> -> vector<128x1024xf32>
      %get3A_45 = arith.constant 0 : index
      %get3A_46 = arith.constant 0 : index
      %get3A_47 = arith.constant 0 : index
      %get3A_48 = arith.constant 0 : index
      %get3A_49 = vector.load %arg7[%get3A_45, %get3A_46, %get3A_47, %get3A_48] : memref<1x1x1x1024xf32, #tpu.memory_space<vmem>>, vector<1x1x1x1024xf32>
      %get3A_50 = vector.shape_cast %get3A_49 : vector<1x1x1x1024xf32> to vector<1024xf32>
      %broadcast_in_dim3A_51 = vector.shape_cast %get3A_50 : vector<1024xf32> to vector<1x1024xf32>
      %add3A_52 = vector.broadcast %broadcast_in_dim3A_51 : vector<1x1024xf32> to vector<128x1024xf32>
      %add3A_53 = arith.addf %dot_general3A_44, %add3A_52 : vector<128x1024xf32>
      %integer_pow3A_54 = arith.mulf %add3A_53, %add3A_53 : vector<128x1024xf32>
      %integer_pow3A_55 = arith.mulf %add3A_53, %integer_pow3A_54 : vector<128x1024xf32>
      %mul3A_56 = arith.constant 4.471500e-02 : f32
      %mul3A_57 = vector.broadcast %mul3A_56 : f32 to vector<128x1024xf32>
      %mul3A_58 = arith.mulf %mul3A_57, %integer_pow3A_55 : vector<128x1024xf32>
      %add3A_59 = arith.addf %add3A_53, %mul3A_58 : vector<128x1024xf32>
      %mul3A_60 = arith.constant 0.797884583 : f32
      %mul3A_61 = vector.broadcast %mul3A_60 : f32 to vector<128x1024xf32>
      %mul3A_62 = arith.mulf %mul3A_61, %add3A_59 : vector<128x1024xf32>
      %tanh3A = math.tanh %mul3A_62 : vector<128x1024xf32>
      %add3A_63 = arith.constant 1.000000e+00 : f32
      %add3A_64 = vector.broadcast %add3A_63 : f32 to vector<128x1024xf32>
      %add3A_65 = arith.addf %add3A_64, %tanh3A : vector<128x1024xf32>
      %mul3A_66 = arith.constant 5.000000e-01 : f32
      %mul3A_67 = vector.broadcast %mul3A_66 : f32 to vector<128x1024xf32>
      %mul3A_68 = arith.mulf %mul3A_67, %add3A_65 : vector<128x1024xf32>
      %mul3A_69 = arith.mulf %add3A_53, %mul3A_68 : vector<128x1024xf32>
      %get3A_70 = arith.constant 0 : index
      %get3A_71 = arith.constant 0 : index
      %get3A_72 = arith.constant 0 : index
      %get3A_73 = arith.constant 0 : index
      %get3A_74 = vector.load %arg8[%get3A_70, %get3A_71, %get3A_72, %get3A_73] : memref<1x1x1024x768xf32, #tpu.memory_space<vmem>>, vector<1x1x1024x768xf32>
      %get3A_75 = vector.shape_cast %get3A_74 : vector<1x1x1024x768xf32> to vector<1024x768xf32>
      %dot_general3A_76 = arith.constant dense<0.000000e+00> : vector<128x768xf32>
      %dot_general3A_77 = tpu.matmul %mul3A_69, %get3A_75, %dot_general3A_76 {dimension_numbers = #tpu.dot_dimension_numbers<[1], [0], [0], [1], [0, 0, 1, 1], [], []>, transpose_lhs_hint = false} : vector<128x1024xf32>, vector<1024x768xf32>, vector<128x768xf32> -> vector<128x768xf32>
      %get3A_78 = arith.constant 0 : index
      %get3A_79 = arith.constant 0 : index
      %get3A_80 = arith.constant 0 : index
      %get3A_81 = arith.constant 0 : index
      %get3A_82 = vector.load %arg9[%get3A_78, %get3A_79, %get3A_80, %get3A_81] : memref<1x1x1x768xf32, #tpu.memory_space<vmem>>, vector<1x1x1x768xf32>
      %get3A_83 = vector.shape_cast %get3A_82 : vector<1x1x1x768xf32> to vector<768xf32>
      %broadcast_in_dim3A_84 = vector.shape_cast %get3A_83 : vector<768xf32> to vector<1x768xf32>
      %add3A_85 = vector.broadcast %broadcast_in_dim3A_84 : vector<1x768xf32> to vector<128x768xf32>
      %add3A_86 = arith.addf %dot_general3A_77, %add3A_85 : vector<128x768xf32>
      %swap3A = arith.constant 0 : index
      %swap3A_87 = arith.constant 0 : index
      %swap3A_88 = vector.load %arg10[%swap3A, %swap3A_87] : memref<128x768xf32, #tpu.memory_space<vmem>>, vector<128x768xf32>
      tpu.vector_store %arg10[%swap3A, %swap3A_87], %add3A_86 {strides = array<i32>} : memref<128x768xf32, #tpu.memory_space<vmem>>, vector<128x768xf32>,
    } else {
    }
    return
  }
  func.func @transform_0(%arg0: i32, %arg1: memref<2x1x24xi32, #tpu.memory_space<smem>>, %arg2: memref<2x1x24xi32, #tpu.memory_space<smem>>) -> (i32, i32) {
    %get3A = arith.constant 1 : index
    %get3A_0 = arith.constant 0 : index
    %get3A_1 = arith.constant 0 : index
    %get3A_2 = memref.load %arg2[%get3A, %get3A_0, %get3A_1] : memref<2x1x24xi32, #tpu.memory_space<smem>>
    %sub3A = arith.constant 1 : i32
    %sub3A_3 = arith.subi %get3A_2, %sub3A : i32
    %min3A = arith.minsi %arg0, %sub3A_3 : i32
    %c0_i32 = arith.constant 0 : i32
    %c0_i32_4 = arith.constant 0 : i32
    return %min3A, %c0_i32 : i32, i32
  }
  func.func @transform_1(%arg0: i32, %arg1: memref<2x1x24xi32, #tpu.memory_space<smem>>, %arg2: memref<2x1x24xi32, #tpu.memory_space<smem>>) -> (i32, i32, i32) {
    %c1_i32 = arith.constant 1 : i32
    %c0_i32 = arith.constant 0 : i32
    %c0_i32_0 = arith.constant 0 : i32
    %c0_i32_1 = arith.constant 0 : i32
    return %c1_i32, %c0_i32, %c0_i32_0 : i32, i32, i32
  }
  func.func @transform_2(%arg0: i32, %arg1: memref<2x1x24xi32, #tpu.memory_space<smem>>, %arg2: memref<2x1x24xi32, #tpu.memory_space<smem>>) -> (i32, i32, i32) {
    %c1_i32 = arith.constant 1 : i32
    %c0_i32 = arith.constant 0 : i32
    %c0_i32_0 = arith.constant 0 : i32
    %c0_i32_1 = arith.constant 0 : i32
    return %c1_i32, %c0_i32, %c0_i32_0 : i32, i32, i32
  }
  func.func @transform_3(%arg0: i32, %arg1: memref<2x1x24xi32, #tpu.memory_space<smem>>, %arg2: memref<2x1x24xi32, #tpu.memory_space<smem>>) -> (i32, i32, i32, i32) {
    %get3A = arith.constant 1 : index
    %get3A_0 = arith.constant 0 : index
    %get3A_1 = arith.index_cast %arg0 : i32 to index
    %get3A_2 = memref.load %arg1[%get3A, %get3A_0, %get3A_1] : memref<2x1x24xi32, #tpu.memory_space<smem>>
    %c1_i32 = arith.constant 1 : i32
    %c0_i32 = arith.constant 0 : i32
    %c0_i32_3 = arith.constant 0 : i32
    %c0_i32_4 = arith.constant 0 : i32
    return %c1_i32, %get3A_2, %c0_i32, %c0_i32_3 : i32, i32, i32, i32
  }
  func.func @transform_4(%arg0: i32, %arg1: memref<2x1x24xi32, #tpu.memory_space<smem>>, %arg2: memref<2x1x24xi32, #tpu.memory_space<smem>>) -> (i32, i32, i32, i32) {
    %get3A = arith.constant 1 : index
    %get3A_0 = arith.constant 0 : index
    %get3A_1 = arith.index_cast %arg0 : i32 to index
    %get3A_2 = memref.load %arg1[%get3A, %get3A_0, %get3A_1] : memref<2x1x24xi32, #tpu.memory_space<smem>>
    %c1_i32 = arith.constant 1 : i32
    %c0_i32 = arith.constant 0 : i32
    %c0_i32_3 = arith.constant 0 : i32
    %c0_i32_4 = arith.constant 0 : i32
    return %c1_i32, %get3A_2, %c0_i32, %c0_i32_3 : i32, i32, i32, i32
  }
  func.func @transform_5(%arg0: i32, %arg1: memref<2x1x24xi32, #tpu.memory_space<smem>>, %arg2: memref<2x1x24xi32, #tpu.memory_space<smem>>) -> (i32, i32, i32, i32) {
    %get3A = arith.constant 1 : index
    %get3A_0 = arith.constant 0 : index
    %get3A_1 = arith.index_cast %arg0 : i32 to index
    %get3A_2 = memref.load %arg1[%get3A, %get3A_0, %get3A_1] : memref<2x1x24xi32, #tpu.memory_space<smem>>
    %c1_i32 = arith.constant 1 : i32
    %c0_i32 = arith.constant 0 : i32
    %c0_i32_3 = arith.constant 0 : i32
    %c0_i32_4 = arith.constant 0 : i32
    return %c1_i32, %get3A_2, %c0_i32, %c0_i32_3 : i32, i32, i32, i32
  }
  func.func @transform_6(%arg0: i32, %arg1: memref<2x1x24xi32, #tpu.memory_space<smem>>, %arg2: memref<2x1x24xi32, #tpu.memory_space<smem>>) -> (i32, i32, i32, i32) {
    %get3A = arith.constant 1 : index
    %get3A_0 = arith.constant 0 : index
    %get3A_1 = arith.index_cast %arg0 : i32 to index
    %get3A_2 = memref.load %arg1[%get3A, %get3A_0, %get3A_1] : memref<2x1x24xi32, #tpu.memory_space<smem>>
    %c1_i32 = arith.constant 1 : i32
    %c0_i32 = arith.constant 0 : i32
    %c0_i32_3 = arith.constant 0 : i32
    %c0_i32_4 = arith.constant 0 : i32
    return %c1_i32, %get3A_2, %c0_i32, %c0_i32_3 : i32, i32, i32, i32
  }
  func.func @transform_7(%arg0: i32, %arg1: memref<2x1x24xi32, #tpu.memory_space<smem>>, %arg2: memref<2x1x24xi32, #tpu.memory_space<smem>>) -> (i32, i32) {
    %get3A = arith.constant 1 : index
    %get3A_0 = arith.constant 0 : index
    %get3A_1 = arith.constant 0 : index
    %get3A_2 = memref.load %arg2[%get3A, %get3A_0, %get3A_1] : memref<2x1x24xi32, #tpu.memory_space<smem>>
    %sub3A = arith.constant 1 : i32
    %sub3A_3 = arith.subi %get3A_2, %sub3A : i32
    %min3A = arith.minsi %arg0, %sub3A_3 : i32
    %c0_i32 = arith.constant 0 : i32
    %c0_i32_4 = arith.constant 0 : i32
    return %min3A, %c0_i32 : i32, i32
  }
}

module attributes {stable_mosaic.version = 14 : i64} {
  func.func @body(%arg0: i32, %arg1: memref<2x1x24xi32, #tpu.memory_space<smem>>, %arg2: memref<2x1x24xi32, #tpu.memory_space<smem>>, %arg3: memref<128x768xf32, #tpu.memory_space<vmem>>, %arg4: memref<1x1x768xf32, #tpu.memory_space<vmem>>, %arg5: memref<1x1x768xf32, #tpu.memory_space<vmem>>, %arg6: memref<1x1x768x1024xf32, #tpu.memory_space<vmem>>, %arg7: memref<1x1x1x1024xf32, #tpu.memory_space<vmem>>, %arg8: memref<1x1x1024x768xf32, #tpu.memory_space<vmem>>, %arg9: memref<1x1x1x768xf32, #tpu.memory_space<vmem>>, %arg10: memref<128x768xf32, #tpu.memory_space<vmem>>) attributes {dimension_semantics = [#tpu.dimension_semantics<arbitrary>], iteration_bounds = array<i64: 24>, scalar_prefetch = 2 : i64, scratch_operands = 0 : i64, tpu.core_type = #tpu.core_type<tc>, window_params = [{transform_indices = @transform_0, window_bounds = array<i64: 128, 768>}, {transform_indices = @transform_1, window_bounds = array<i64: 1, 1, 768>}, {transform_indices = @transform_2, window_bounds = array<i64: 1, 1, 768>}, {transform_indices = @transform_3, window_bounds = array<i64: 1, 1, 768, 1024>}, {transform_indices = @transform_4, window_bounds = array<i64: 1, 1, 1, 1024>}, {transform_indices = @transform_5, window_bounds = array<i64: 1, 1, 1024, 768>}, {transform_indices = @transform_6, window_bounds = array<i64: 1, 1, 1, 768>}, {transform_indices = @transform_7, window_bounds = array<i64: 128, 768>}]} {
    %get3A = arith.constant 0 : index
    %get3A_0 = arith.constant 0 : index
    %get3A_1 = arith.constant 0 : index
    %get3A_2 = memref.load %arg2[%get3A, %get3A_0, %get3A_1] : memref<2x1x24xi32, #tpu.memory_space<smem>>
    %lt3A = arith.cmpi slt, %arg0, %get3A_2 : i32
    %convert_element_type3A = arith.extui %lt3A : i1 to i32
    %cond3A = arith.constant 0 : i32
    %cond3A_3 = arith.cmpi ne, %convert_element_type3A, %cond3A : i32
    scf.if %cond3A_3 {
      %get3A_4 = arith.constant 0 : index
      %get3A_5 = arith.constant 0 : index
      %get3A_6 = vector.load %arg3[%get3A_4, %get3A_5] : memref<128x768xf32, #tpu.memory_space<vmem>>, vector<128x768xf32>
      %reduce_sum3A = arith.constant dense<0.000000e+00> : vector<128xf32>
      %reduce_sum3A_7 = vector.multi_reduction <add>, %get3A_6, %reduce_sum3A [1] : vector<128x768xf32> to vector<128xf32>
      %broadcast_in_dim3A = vector.shape_cast %reduce_sum3A_7 : vector<128xf32> to vector<128x1xf32>
      %div3A = arith.constant 7.680000e+02 : f32
      %div3A_8 = vector.broadcast %div3A : f32 to vector<128x1xf32>
      %div3A_9 = arith.divf %broadcast_in_dim3A, %div3A_8 : vector<128x1xf32>
      %sub3A = vector.broadcast %div3A_9 : vector<128x1xf32> to vector<128x768xf32>
      %sub3A_10 = arith.subf %get3A_6, %sub3A : vector<128x768xf32>
      %integer_pow3A = arith.mulf %sub3A_10, %sub3A_10 : vector<128x768xf32>
      %reduce_sum3A_11 = arith.constant dense<0.000000e+00> : vector<128xf32>
      %reduce_sum3A_12 = vector.multi_reduction <add>, %integer_pow3A, %reduce_sum3A_11 [1] : vector<128x768xf32> to vector<128xf32>
      %broadcast_in_dim3A_13 = vector.shape_cast %reduce_sum3A_12 : vector<128xf32> to vector<128x1xf32>
      %div3A_14 = arith.constant 7.680000e+02 : f32
      %div3A_15 = vector.broadcast %div3A_14 : f32 to vector<128x1xf32>
      %div3A_16 = arith.divf %broadcast_in_dim3A_13, %div3A_15 : vector<128x1xf32>
      %sub3A_17 = vector.broadcast %div3A_9 : vector<128x1xf32> to vector<128x768xf32>
      %sub3A_18 = arith.subf %get3A_6, %sub3A_17 : vector<128x768xf32>
      %add3A = arith.constant 9.99999974E-6 : f32
      %add3A_19 = vector.broadcast %add3A : f32 to vector<128x1xf32>
      %add3A_20 = arith.addf %div3A_16, %add3A_19 : vector<128x1xf32>
      %sqrt3A = math.sqrt %add3A_20 : vector<128x1xf32>
      %div3A_21 = vector.broadcast %sqrt3A : vector<128x1xf32> to vector<128x768xf32>
      %div3A_22 = arith.divf %sub3A_18, %div3A_21 : vector<128x768xf32>
      %get3A_23 = arith.constant 0 : index
      %get3A_24 = arith.constant 0 : index
      %get3A_25 = arith.constant 0 : index
      %get3A_26 = vector.load %arg4[%get3A_23, %get3A_24, %get3A_25] : memref<1x1x768xf32, #tpu.memory_space<vmem>>, vector<1x1x768xf32>
      %get3A_27 = vector.shape_cast %get3A_26 : vector<1x1x768xf32> to vector<768xf32>
      %broadcast_in_dim3A_28 = vector.shape_cast %get3A_27 : vector<768xf32> to vector<1x768xf32>
      %mul3A = vector.broadcast %broadcast_in_dim3A_28 : vector<1x768xf32> to vector<128x768xf32>
      %mul3A_29 = arith.mulf %div3A_22, %mul3A : vector<128x768xf32>
      %get3A_30 = arith.constant 0 : index
      %get3A_31 = arith.constant 0 : index
      %get3A_32 = arith.constant 0 : index
      %get3A_33 = vector.load %arg5[%get3A_30, %get3A_31, %get3A_32] : memref<1x1x768xf32, #tpu.memory_space<vmem>>, vector<1x1x768xf32>
      %get3A_34 = vector.shape_cast %get3A_33 : vector<1x1x768xf32> to vector<768xf32>
      %broadcast_in_dim3A_35 = vector.shape_cast %get3A_34 : vector<768xf32> to vector<1x768xf32>
      %add3A_36 = vector.broadcast %broadcast_in_dim3A_35 : vector<1x768xf32> to vector<128x768xf32>
      %add3A_37 = arith.addf %mul3A_29, %add3A_36 : vector<128x768xf32>
      %get3A_38 = arith.constant 0 : index
      %get3A_39 = arith.constant 0 : index
      %get3A_40 = arith.constant 0 : index
      %get3A_41 = arith.constant 0 : index
      %get3A_42 = vector.load %arg6[%get3A_38, %get3A_39, %get3A_40, %get3A_41] : memref<1x1x768x1024xf32, #tpu.memory_space<vmem>>, vector<1x1x768x1024xf32>
      %get3A_43 = vector.shape_cast %get3A_42 : vector<1x1x768x1024xf32> to vector<768x1024xf32>
      %dot_general3A = arith.constant dense<0.000000e+00> : vector<128x1024xf32>
      %dot_general3A_44 = tpu.matmul %add3A_37, %get3A_43, %dot_general3A {dimension_numbers = #tpu.dot_dimension_numbers<[1], [0], [0], [1], [0, 0, 1, 1], [], []>, transpose_lhs_hint = false} : vector<128x768xf32>, vector<768x1024xf32>, vector<128x1024xf32> -> vector<128x1024xf32>
      %get3A_45 = arith.constant 0 : index
      %get3A_46 = arith.constant 0 : index
      %get3A_47 = arith.constant 0 : index
      %get3A_48 = arith.constant 0 : index
      %get3A_49 = vector.load %arg7[%get3A_45, %get3A_46, %get3A_47, %get3A_48] : memref<1x1x1x1024xf32, #tpu.memory_space<vmem>>, vector<1x1x1x1024xf32>
      %get3A_50 = vector.shape_cast %get3A_49 : vector<1x1x1x1024xf32> to vector<1024xf32>
      %broadcast_in_dim3A_51 = vector.shape_cast %get3A_50 : vector<1024xf32> to vector<1x1024xf32>
      %add3A_52 = vector.broadcast %broadcast_in_dim3A_51 : vector<1x1024xf32> to vector<128x1024xf32>
      %add3A_53 = arith.addf %dot_general3A_44, %add3A_52 : vector<128x1024xf32>
      %integer_pow3A_54 = arith.mulf %add3A_53, %add3A_53 : vector<128x1024xf32>
      %integer_pow3A_55 = arith.mulf %add3A_53, %integer_pow3A_54 : vector<128x1024xf32>
      %mul3A_56 = arith.constant 4.471500e-02 : f32
      %mul3A_57 = vector.broadcast %mul3A_56 : f32 to vector<128x1024xf32>
      %mul3A_58 = arith.mulf %mul3A_57, %integer_pow3A_55 : vector<128x1024xf32>
      %add3A_59 = arith.addf %add3A_53, %mul3A_58 : vector<128x1024xf32>
      %mul3A_60 = arith.constant 0.797884583 : f32
      %mul3A_61 = vector.broadcast %mul3A_60 : f32 to vector<128x1024xf32>
      %mul3A_62 = arith.mulf %mul3A_61, %add3A_59 : vector<128x1024xf32>
      %tanh3A = math.tanh %mul3A_62 : vector<128x1024xf32>
      %add3A_63 = arith.constant 1.000000e+00 : f32
      %add3A_64 = vector.broadcast %add3A_63 : f32 to vector<128x1024xf32>
      %add3A_65 = arith.addf %add3A_64, %tanh3A : vector<128x1024xf32>
      %mul3A_66 = arith.constant 5.000000e-01 : f32
      %mul3A_67 = vector.broadcast %mul3A_66 : f32 to vector<128x1024xf32>
      %mul3A_68 = arith.mulf %mul3A_67, %add3A_65 : vector<128x1024xf32>
      %mul3A_69 = arith.mulf %add3A_53, %mul3A_68 : vector<128x1024xf32>
      %get3A_70 = arith.constant 0 : index
      %get3A_71 = arith.constant 0 : index
      %get3A_72 = arith.constant 0 : index
      %get3A_73 = arith.constant 0 : index
      %get3A_74 = vector.load %arg8[%get3A_70, %get3A_71, %get3A_72, %get3A_73] : memref<1x1x1024x768xf32, #tpu.memory_space<vmem>>, vector<1x1x1024x768xf32>
      %get3A_75 = vector.shape_cast %get3A_74 : vector<1x1x1024x768xf32> to vector<1024x768xf32>
      %dot_general3A_76 = arith.constant dense<0.000000e+00> : vector<128x768xf32>
      %dot_general3A_77 = tpu.matmul %mul3A_69, %get3A_75, %dot_general3A_76 {dimension_numbers = #tpu.dot_dimension_numbers<[1], [0], [0], [1], [0, 0, 1, 1], [], []>, transpose_lhs_hint = false} : vector<128x1024xf32>, vector<1024x768xf32>, vector<128x768xf32> -> vector<128x768xf32>
      %get3A_78 = arith.constant 0 : index
      %get3A_79 = arith.constant 0 : index
      %get3A_80 = arith.constant 0 : index
      %get3A_81 = arith.constant 0 : index
      %get3A_82 = vector.load %arg9[%get3A_78, %get3A_79, %get3A_80, %get3A_81] : memref<1x1x1x768xf32, #tpu.memory_space<vmem>>, vector<1x1x1x768xf32>
      %get3A_83 = vector.shape_cast %get3A_82 : vector<1x1x1x768xf32> to vector<768xf32>
      %broadcast_in_dim3A_84 = vector.shape_cast %get3A_83 : vector<768xf32> to vector<1x768xf32>
      %add3A_85 = vector.broadcast %broadcast_in_dim3A_84 : vector<1x768xf32> to vector<128x768xf32>
      %add3A_86 = arith.addf %dot_general3A_77, %add3A_85 : vector<128x768xf32>
      %swap3A = arith.constant 0 : index
      %swap3A_87 = arith.constant 0 : index
      %swap3A_88 = vector.load %arg10[%swap3A, %swap3A_87] : memref<128x768xf32, #tpu.memory_space<vmem>>, vector<128x768xf32>
      tpu.vector_store %arg10[%swap3A, %swap3A_87], %add3A_86 {strides = array<i32>} : memref<128x768xf32, #tpu.memory_space<vmem>>, vector<128x768xf32>,
    } else {
    }
    return
  }
  func.func @transform_0(%arg0: i32, %arg1: memref<2x1x24xi32, #tpu.memory_space<smem>>, %arg2: memref<2x1x24xi32, #tpu.memory_space<smem>>) -> (i32, i32) {
    %get3A = arith.constant 0 : index
    %get3A_0 = arith.constant 0 : index
    %get3A_1 = arith.constant 0 : index
    %get3A_2 = memref.load %arg2[%get3A, %get3A_0, %get3A_1] : memref<2x1x24xi32, #tpu.memory_space<smem>>
    %sub3A = arith.constant 1 : i32
    %sub3A_3 = arith.subi %get3A_2, %sub3A : i32
    %min3A = arith.minsi %arg0, %sub3A_3 : i32
    %c0_i32 = arith.constant 0 : i32
    %c0_i32_4 = arith.constant 0 : i32
    return %min3A, %c0_i32 : i32, i32
  }
  func.func @transform_1(%arg0: i32, %arg1: memref<2x1x24xi32, #tpu.memory_space<smem>>, %arg2: memref<2x1x24xi32, #tpu.memory_space<smem>>) -> (i32, i32, i32) {
    %c0_i32 = arith.constant 0 : i32
    %c0_i32_0 = arith.constant 0 : i32
    %c0_i32_1 = arith.constant 0 : i32
    %c0_i32_2 = arith.constant 0 : i32
    return %c0_i32, %c0_i32_0, %c0_i32_1 : i32, i32, i32
  }
  func.func @transform_2(%arg0: i32, %arg1: memref<2x1x24xi32, #tpu.memory_space<smem>>, %arg2: memref<2x1x24xi32, #tpu.memory_space<smem>>) -> (i32, i32, i32) {
    %c0_i32 = arith.constant 0 : i32
    %c0_i32_0 = arith.constant 0 : i32
    %c0_i32_1 = arith.constant 0 : i32
    %c0_i32_2 = arith.constant 0 : i32
    return %c0_i32, %c0_i32_0, %c0_i32_1 : i32, i32, i32
  }
  func.func @transform_3(%arg0: i32, %arg1: memref<2x1x24xi32, #tpu.memory_space<smem>>, %arg2: memref<2x1x24xi32, #tpu.memory_space<smem>>) -> (i32, i32, i32, i32) {
    %get3A = arith.constant 0 : index
    %get3A_0 = arith.constant 0 : index
    %get3A_1 = arith.index_cast %arg0 : i32 to index
    %get3A_2 = memref.load %arg1[%get3A, %get3A_0, %get3A_1] : memref<2x1x24xi32, #tpu.memory_space<smem>>
    %c0_i32 = arith.constant 0 : i32
    %c0_i32_3 = arith.constant 0 : i32
    %c0_i32_4 = arith.constant 0 : i32
    %c0_i32_5 = arith.constant 0 : i32
    return %c0_i32, %get3A_2, %c0_i32_3, %c0_i32_4 : i32, i32, i32, i32
  }
  func.func @transform_4(%arg0: i32, %arg1: memref<2x1x24xi32, #tpu.memory_space<smem>>, %arg2: memref<2x1x24xi32, #tpu.memory_space<smem>>) -> (i32, i32, i32, i32) {
    %get3A = arith.constant 0 : index
    %get3A_0 = arith.constant 0 : index
    %get3A_1 = arith.index_cast %arg0 : i32 to index
    %get3A_2 = memref.load %arg1[%get3A, %get3A_0, %get3A_1] : memref<2x1x24xi32, #tpu.memory_space<smem>>
    %c0_i32 = arith.constant 0 : i32
    %c0_i32_3 = arith.constant 0 : i32
    %c0_i32_4 = arith.constant 0 : i32
    %c0_i32_5 = arith.constant 0 : i32
    return %c0_i32, %get3A_2, %c0_i32_3, %c0_i32_4 : i32, i32, i32, i32
  }
  func.func @transform_5(%arg0: i32, %arg1: memref<2x1x24xi32, #tpu.memory_space<smem>>, %arg2: memref<2x1x24xi32, #tpu.memory_space<smem>>) -> (i32, i32, i32, i32) {
    %get3A = arith.constant 0 : index
    %get3A_0 = arith.constant 0 : index
    %get3A_1 = arith.index_cast %arg0 : i32 to index
    %get3A_2 = memref.load %arg1[%get3A, %get3A_0, %get3A_1] : memref<2x1x24xi32, #tpu.memory_space<smem>>
    %c0_i32 = arith.constant 0 : i32
    %c0_i32_3 = arith.constant 0 : i32
    %c0_i32_4 = arith.constant 0 : i32
    %c0_i32_5 = arith.constant 0 : i32
    return %c0_i32, %get3A_2, %c0_i32_3, %c0_i32_4 : i32, i32, i32, i32
  }
  func.func @transform_6(%arg0: i32, %arg1: memref<2x1x24xi32, #tpu.memory_space<smem>>, %arg2: memref<2x1x24xi32, #tpu.memory_space<smem>>) -> (i32, i32, i32, i32) {
    %get3A = arith.constant 0 : index
    %get3A_0 = arith.constant 0 : index
    %get3A_1 = arith.index_cast %arg0 : i32 to index
    %get3A_2 = memref.load %arg1[%get3A, %get3A_0, %get3A_1] : memref<2x1x24xi32, #tpu.memory_space<smem>>
    %c0_i32 = arith.constant 0 : i32
    %c0_i32_3 = arith.constant 0 : i32
    %c0_i32_4 = arith.constant 0 : i32
    %c0_i32_5 = arith.constant 0 : i32
    return %c0_i32, %get3A_2, %c0_i32_3, %c0_i32_4 : i32, i32, i32, i32
  }
  func.func @transform_7(%arg0: i32, %arg1: memref<2x1x24xi32, #tpu.memory_space<smem>>, %arg2: memref<2x1x24xi32, #tpu.memory_space<smem>>) -> (i32, i32) {
    %get3A = arith.constant 0 : index
    %get3A_0 = arith.constant 0 : index
    %get3A_1 = arith.constant 0 : index
    %get3A_2 = memref.load %arg2[%get3A, %get3A_0, %get3A_1] : memref<2x1x24xi32, #tpu.memory_space<smem>>
    %sub3A = arith.constant 1 : i32
    %sub3A_3 = arith.subi %get3A_2, %sub3A : i32
    %min3A = arith.minsi %arg0, %sub3A_3 : i32
    %c0_i32 = arith.constant 0 : i32
    %c0_i32_4 = arith.constant 0 : i32
    return %min3A, %c0_i32 : i32, i32
  }
}

module attributes {stable_mosaic.version = 14 : i64} {
  func.func @_combine_body(%arg0: i32, %arg1: memref<1x256x768xf32, #tpu.memory_space<vmem>>, %arg2: memref<256x768xf32, #tpu.memory_space<vmem>>, %arg3: memref<256x768xf32, #tpu.memory_space<vmem>>, %arg4: memref<2x1x256xf32, #tpu.memory_space<vmem>>, %arg5: memref<1x512xf32, #tpu.memory_space<vmem>>, %arg6: memref<512x1536xf32, #tpu.memory_space<vmem>>, %arg7: memref<1x1536xf32, #tpu.memory_space<vmem>>, %arg8: memref<1x768xf32, #tpu.memory_space<vmem>>, %arg9: memref<1x768xf32, #tpu.memory_space<vmem>>, %arg10: memref<768x768xf32, #tpu.memory_space<vmem>>, %arg11: memref<1x768xf32, #tpu.memory_space<vmem>>, %arg12: memref<1x256x768xf32, #tpu.memory_space<vmem>>) attributes {dimension_semantics = [#tpu.dimension_semantics<arbitrary>], iteration_bounds = array<i64: 8>, scalar_prefetch = 0 : i64, scratch_operands = 0 : i64, tpu.core_type = #tpu.core_type<tc>, window_params = [{transform_indices = @transform_0, window_bounds = array<i64: 1, 256, 768>}, {transform_indices = @transform_1, window_bounds = array<i64: 256, 768>}, {transform_indices = @transform_2, window_bounds = array<i64: 256, 768>}, {transform_indices = @transform_3, window_bounds = array<i64: 2, 1, 256>}, {pipeline_mode = #tpu.pipeline_mode<synchronous>, transform_indices = @transform_4, window_bounds = array<i64: 1, 512>}, {pipeline_mode = #tpu.pipeline_mode<synchronous>, transform_indices = @transform_5, window_bounds = array<i64: 512, 1536>}, {pipeline_mode = #tpu.pipeline_mode<synchronous>, transform_indices = @transform_6, window_bounds = array<i64: 1, 1536>}, {pipeline_mode = #tpu.pipeline_mode<synchronous>, transform_indices = @transform_7, window_bounds = array<i64: 1, 768>}, {pipeline_mode = #tpu.pipeline_mode<synchronous>, transform_indices = @transform_8, window_bounds = array<i64: 1, 768>}, {pipeline_mode = #tpu.pipeline_mode<synchronous>, transform_indices = @transform_9, window_bounds = array<i64: 768, 768>}, {pipeline_mode = #tpu.pipeline_mode<synchronous>, transform_indices = @transform_10, window_bounds = array<i64: 1, 768>}, {transform_indices = @transform_11, window_bounds = array<i64: 1, 256, 768>}]} {
    %get3A = arith.constant 0 : index
    %get3A_0 = arith.constant 0 : index
    %get3A_1 = arith.constant 0 : index
    %get3A_2 = vector.load %arg4[%get3A, %get3A_0, %get3A_1] : memref<2x1x256xf32, #tpu.memory_space<vmem>>, vector<1x1x256xf32>
    %get3A_3 = vector.shape_cast %get3A_2 : vector<1x1x256xf32> to vector<256xf32>
    %get3A_4 = arith.constant 1 : index
    %get3A_5 = arith.constant 0 : index
    %get3A_6 = arith.constant 0 : index
    %get3A_7 = vector.load %arg4[%get3A_4, %get3A_5, %get3A_6] : memref<2x1x256xf32, #tpu.memory_space<vmem>>, vector<1x1x256xf32>
    %get3A_8 = vector.shape_cast %get3A_7 : vector<1x1x256xf32> to vector<256xf32>
    %get3A_9 = arith.constant 0 : index
    %get3A_10 = arith.constant 0 : index
    %get3A_11 = vector.load %arg2[%get3A_9, %get3A_10] : memref<256x768xf32, #tpu.memory_space<vmem>>, vector<256x768xf32>
    %broadcast_in_dim3A = vector.shape_cast %get3A_3 : vector<256xf32> to vector<256x1xf32>
    %mul3A = vector.broadcast %broadcast_in_dim3A : vector<256x1xf32> to vector<256x768xf32>
    %mul3A_12 = arith.mulf %get3A_11, %mul3A : vector<256x768xf32>
    %get3A_13 = arith.constant 0 : index
    %get3A_14 = arith.constant 0 : index
    %get3A_15 = vector.load %arg3[%get3A_13, %get3A_14] : memref<256x768xf32, #tpu.memory_space<vmem>>, vector<256x768xf32>
    %broadcast_in_dim3A_16 = vector.shape_cast %get3A_8 : vector<256xf32> to vector<256x1xf32>
    %mul3A_17 = vector.broadcast %broadcast_in_dim3A_16 : vector<256x1xf32> to vector<256x768xf32>
    %mul3A_18 = arith.mulf %get3A_15, %mul3A_17 : vector<256x768xf32>
    %add3A = arith.addf %mul3A_12, %mul3A_18 : vector<256x768xf32>
    %mul3A_19 = arith.constant 5.000000e-01 : f32
    %mul3A_20 = vector.broadcast %mul3A_19 : f32 to vector<256x768xf32>
    %mul3A_21 = arith.mulf %add3A, %mul3A_20 : vector<256x768xf32>
    %get3A_22 = arith.constant 0 : index
    %get3A_23 = arith.constant 0 : index
    %get3A_24 = vector.load %arg5[%get3A_22, %get3A_23] : memref<1x512xf32, #tpu.memory_space<vmem>>, vector<1x512xf32>
    %logistic3A = arith.negf %get3A_24 : vector<1x512xf32>
    %logistic3A_25 = math.exp %logistic3A : vector<1x512xf32>
    %logistic3A_26 = arith.constant 1.000000e+00 : f32
    %logistic3A_27 = vector.broadcast %logistic3A_26 : f32 to vector<1x512xf32>
    %logistic3A_28 = arith.addf %logistic3A_27, %logistic3A_25 : vector<1x512xf32>
    %logistic3A_29 = arith.divf %logistic3A_27, %logistic3A_28 : vector<1x512xf32>
    %mul3A_30 = arith.mulf %get3A_24, %logistic3A_29 : vector<1x512xf32>
    %get3A_31 = arith.constant 0 : index
    %get3A_32 = arith.constant 0 : index
    %get3A_33 = vector.load %arg6[%get3A_31, %get3A_32] : memref<512x1536xf32, #tpu.memory_space<vmem>>, vector<512x1536xf32>
    %dot_general3A = arith.constant dense<0.000000e+00> : vector<1x1536xf32>
    %dot_general3A_34 = tpu.matmul %mul3A_30, %get3A_33, %dot_general3A {dimension_numbers = #tpu.dot_dimension_numbers<[1], [0], [0], [1], [0, 0, 1, 1], [], []>, transpose_lhs_hint = false} : vector<1x512xf32>, vector<512x1536xf32>, vector<1x1536xf32> -> vector<1x1536xf32>
    %get3A_35 = arith.constant 0 : index
    %get3A_36 = arith.constant 0 : index
    %get3A_37 = vector.load %arg7[%get3A_35, %get3A_36] : memref<1x1536xf32, #tpu.memory_space<vmem>>, vector<1x1536xf32>
    %add3A_38 = arith.addf %dot_general3A_34, %get3A_37 : vector<1x1536xf32>
    %slice3A = vector.extract_strided_slice %add3A_38 {offsets = [0, 0], sizes = [1, 768], strides = [1, 1]} : vector<1x1536xf32> to vector<1x768xf32>
    %slice3A_39 = vector.extract_strided_slice %add3A_38 {offsets = [0, 768], sizes = [1, 768], strides = [1, 1]} : vector<1x1536xf32> to vector<1x768xf32>
    %reduce_sum3A = arith.constant dense<0.000000e+00> : vector<256xf32>
    %reduce_sum3A_40 = vector.multi_reduction <add>, %mul3A_21, %reduce_sum3A [1] : vector<256x768xf32> to vector<256xf32>
    %broadcast_in_dim3A_41 = vector.shape_cast %reduce_sum3A_40 : vector<256xf32> to vector<256x1xf32>
    %div3A = arith.constant 7.680000e+02 : f32
    %div3A_42 = vector.broadcast %div3A : f32 to vector<256x1xf32>
    %div3A_43 = arith.divf %broadcast_in_dim3A_41, %div3A_42 : vector<256x1xf32>
    %sub3A = vector.broadcast %div3A_43 : vector<256x1xf32> to vector<256x768xf32>
    %sub3A_44 = arith.subf %mul3A_21, %sub3A : vector<256x768xf32>
    %integer_pow3A = arith.mulf %sub3A_44, %sub3A_44 : vector<256x768xf32>
    %reduce_sum3A_45 = arith.constant dense<0.000000e+00> : vector<256xf32>
    %reduce_sum3A_46 = vector.multi_reduction <add>, %integer_pow3A, %reduce_sum3A_45 [1] : vector<256x768xf32> to vector<256xf32>
    %broadcast_in_dim3A_47 = vector.shape_cast %reduce_sum3A_46 : vector<256xf32> to vector<256x1xf32>
    %div3A_48 = arith.constant 7.680000e+02 : f32
    %div3A_49 = vector.broadcast %div3A_48 : f32 to vector<256x1xf32>
    %div3A_50 = arith.divf %broadcast_in_dim3A_47, %div3A_49 : vector<256x1xf32>
    %sub3A_51 = vector.broadcast %div3A_43 : vector<256x1xf32> to vector<256x768xf32>
    %sub3A_52 = arith.subf %mul3A_21, %sub3A_51 : vector<256x768xf32>
    %add3A_53 = arith.constant 9.99999974E-6 : f32
    %add3A_54 = vector.broadcast %add3A_53 : f32 to vector<256x1xf32>
    %add3A_55 = arith.addf %div3A_50, %add3A_54 : vector<256x1xf32>
    %sqrt3A = math.sqrt %add3A_55 : vector<256x1xf32>
    %div3A_56 = vector.broadcast %sqrt3A : vector<256x1xf32> to vector<256x768xf32>
    %div3A_57 = arith.divf %sub3A_52, %div3A_56 : vector<256x768xf32>
    %get3A_58 = arith.constant 0 : index
    %get3A_59 = arith.constant 0 : index
    %get3A_60 = vector.load %arg8[%get3A_58, %get3A_59] : memref<1x768xf32, #tpu.memory_space<vmem>>, vector<1x768xf32>
    %get3A_61 = vector.shape_cast %get3A_60 : vector<1x768xf32> to vector<768xf32>
    %broadcast_in_dim3A_62 = vector.shape_cast %get3A_61 : vector<768xf32> to vector<1x768xf32>
    %mul3A_63 = vector.broadcast %broadcast_in_dim3A_62 : vector<1x768xf32> to vector<256x768xf32>
    %mul3A_64 = arith.mulf %div3A_57, %mul3A_63 : vector<256x768xf32>
    %get3A_65 = arith.constant 0 : index
    %get3A_66 = arith.constant 0 : index
    %get3A_67 = vector.load %arg9[%get3A_65, %get3A_66] : memref<1x768xf32, #tpu.memory_space<vmem>>, vector<1x768xf32>
    %get3A_68 = vector.shape_cast %get3A_67 : vector<1x768xf32> to vector<768xf32>
    %broadcast_in_dim3A_69 = vector.shape_cast %get3A_68 : vector<768xf32> to vector<1x768xf32>
    %add3A_70 = vector.broadcast %broadcast_in_dim3A_69 : vector<1x768xf32> to vector<256x768xf32>
    %add3A_71 = arith.addf %mul3A_64, %add3A_70 : vector<256x768xf32>
    %add3A_72 = arith.constant 1.000000e+00 : f32
    %add3A_73 = vector.broadcast %add3A_72 : f32 to vector<1x768xf32>
    %add3A_74 = arith.addf %add3A_73, %slice3A : vector<1x768xf32>
    %mul3A_75 = vector.broadcast %add3A_74 : vector<1x768xf32> to vector<256x768xf32>
    %mul3A_76 = arith.mulf %add3A_71, %mul3A_75 : vector<256x768xf32>
    %add3A_77 = vector.broadcast %slice3A_39 : vector<1x768xf32> to vector<256x768xf32>
    %add3A_78 = arith.addf %mul3A_76, %add3A_77 : vector<256x768xf32>
    %logistic3A_79 = arith.negf %add3A_78 : vector<256x768xf32>
    %logistic3A_80 = math.exp %logistic3A_79 : vector<256x768xf32>
    %logistic3A_81 = arith.constant 1.000000e+00 : f32
    %logistic3A_82 = vector.broadcast %logistic3A_81 : f32 to vector<256x768xf32>
    %logistic3A_83 = arith.addf %logistic3A_82, %logistic3A_80 : vector<256x768xf32>
    %logistic3A_84 = arith.divf %logistic3A_82, %logistic3A_83 : vector<256x768xf32>
    %mul3A_85 = arith.mulf %add3A_78, %logistic3A_84 : vector<256x768xf32>
    %get3A_86 = arith.constant 0 : index
    %get3A_87 = arith.constant 0 : index
    %get3A_88 = vector.load %arg10[%get3A_86, %get3A_87] : memref<768x768xf32, #tpu.memory_space<vmem>>, vector<768x768xf32>
    %dot_general3A_89 = arith.constant dense<0.000000e+00> : vector<256x768xf32>
    %dot_general3A_90 = tpu.matmul %mul3A_85, %get3A_88, %dot_general3A_89 {dimension_numbers = #tpu.dot_dimension_numbers<[1], [0], [0], [1], [0, 0, 1, 1], [], []>, transpose_lhs_hint = false} : vector<256x768xf32>, vector<768x768xf32>, vector<256x768xf32> -> vector<256x768xf32>
    %get3A_91 = arith.constant 0 : index
    %get3A_92 = arith.constant 0 : index
    %get3A_93 = arith.constant 0 : index
    %get3A_94 = vector.load %arg1[%get3A_91, %get3A_92, %get3A_93] : memref<1x256x768xf32, #tpu.memory_space<vmem>>, vector<1x256x768xf32>
    %get3A_95 = vector.shape_cast %get3A_94 : vector<1x256x768xf32> to vector<256x768xf32>
    %add3A_96 = arith.addf %get3A_95, %dot_general3A_90 : vector<256x768xf32>
    %get3A_97 = arith.constant 0 : index
    %get3A_98 = arith.constant 0 : index
    %get3A_99 = vector.load %arg11[%get3A_97, %get3A_98] : memref<1x768xf32, #tpu.memory_space<vmem>>, vector<1x768xf32>
    %add3A_100 = vector.broadcast %get3A_99 : vector<1x768xf32> to vector<256x768xf32>
    %add3A_101 = arith.addf %add3A_96, %add3A_100 : vector<256x768xf32>
    %swap3A = arith.constant 0 : index
    %swap3A_102 = arith.constant 0 : index
    %swap3A_103 = arith.constant 0 : index
    %swap3A_104 = vector.load %arg12[%swap3A, %swap3A_102, %swap3A_103] : memref<1x256x768xf32, #tpu.memory_space<vmem>>, vector<1x256x768xf32>
    %swap3A_105 = vector.shape_cast %swap3A_104 : vector<1x256x768xf32> to vector<256x768xf32>
    %swap3A_106 = vector.shape_cast %add3A_101 : vector<256x768xf32> to vector<1x256x768xf32>
    tpu.vector_store %arg12[%swap3A, %swap3A_102, %swap3A_103], %swap3A_106 {strides = array<i32>} : memref<1x256x768xf32, #tpu.memory_space<vmem>>, vector<1x256x768xf32>,
    return
  }
  func.func @transform_0(%arg0: i32) -> (i32, i32, i32) {
    %c0_i32 = arith.constant 0 : i32
    %c0_i32_0 = arith.constant 0 : i32
    %c0_i32_1 = arith.constant 0 : i32
    return %c0_i32, %arg0, %c0_i32_0 : i32, i32, i32
  }
  func.func @transform_1(%arg0: i32) -> (i32, i32) {
    %c0_i32 = arith.constant 0 : i32
    %c0_i32_0 = arith.constant 0 : i32
    return %arg0, %c0_i32 : i32, i32
  }
  func.func @transform_2(%arg0: i32) -> (i32, i32) {
    %c0_i32 = arith.constant 0 : i32
    %c0_i32_0 = arith.constant 0 : i32
    return %arg0, %c0_i32 : i32, i32
  }
  func.func @transform_3(%arg0: i32) -> (i32, i32, i32) {
    %c0_i32 = arith.constant 0 : i32
    %c0_i32_0 = arith.constant 0 : i32
    %c0_i32_1 = arith.constant 0 : i32
    return %c0_i32, %c0_i32_0, %arg0 : i32, i32, i32
  }
  func.func @transform_4(%arg0: i32) -> (i32, i32) {
    %c0_i32 = arith.constant 0 : i32
    %c0_i32_0 = arith.constant 0 : i32
    %c0_i32_1 = arith.constant 0 : i32
    return %c0_i32, %c0_i32_0 : i32, i32
  }
  func.func @transform_5(%arg0: i32) -> (i32, i32) {
    %c0_i32 = arith.constant 0 : i32
    %c0_i32_0 = arith.constant 0 : i32
    %c0_i32_1 = arith.constant 0 : i32
    return %c0_i32, %c0_i32_0 : i32, i32
  }
  func.func @transform_6(%arg0: i32) -> (i32, i32) {
    %c0_i32 = arith.constant 0 : i32
    %c0_i32_0 = arith.constant 0 : i32
    %c0_i32_1 = arith.constant 0 : i32
    return %c0_i32, %c0_i32_0 : i32, i32
  }
  func.func @transform_7(%arg0: i32) -> (i32, i32) {
    %c0_i32 = arith.constant 0 : i32
    %c0_i32_0 = arith.constant 0 : i32
    %c0_i32_1 = arith.constant 0 : i32
    return %c0_i32, %c0_i32_0 : i32, i32
  }
  func.func @transform_8(%arg0: i32) -> (i32, i32) {
    %c0_i32 = arith.constant 0 : i32
    %c0_i32_0 = arith.constant 0 : i32
    %c0_i32_1 = arith.constant 0 : i32
    return %c0_i32, %c0_i32_0 : i32, i32
  }
  func.func @transform_9(%arg0: i32) -> (i32, i32) {
    %c0_i32 = arith.constant 0 : i32
    %c0_i32_0 = arith.constant 0 : i32
    %c0_i32_1 = arith.constant 0 : i32
    return %c0_i32, %c0_i32_0 : i32, i32
  }
  func.func @transform_10(%arg0: i32) -> (i32, i32) {
    %c0_i32 = arith.constant 0 : i32
    %c0_i32_0 = arith.constant 0 : i32
    %c0_i32_1 = arith.constant 0 : i32
    return %c0_i32, %c0_i32_0 : i32, i32
  }
  func.func @transform_11(%arg0: i32) -> (i32, i32, i32) {
    %c0_i32 = arith.constant 0 : i32
    %c0_i32_0 = arith.constant 0 : i32
    %c0_i32_1 = arith.constant 0 : i32
    return %c0_i32, %arg0, %c0_i32_0 : i32, i32, i32
  }
}

</mosaic_0001>

<sc_bundles>
// kernel: kernel.11.cloned.1.call-start
scs
__scs_entry_jumppad:
0x0: {  	(pc) =	sbr.rel $0x88, $3  }
0x1: {  	(tag) =	ssettag $0x0;
	lr =	simm.s32 $0x1  }
0x2: {  	[smem:$0x3F91] =	sst lr;
	_ =	strace $0xD0000000  }
0x3: {  	_ = 	snop  }
0x4: {  	_ = 	snop  }
0x5: {  	_ = 	snop  }
0x6: {  	_ = 	snop  }
0x7: {  	_ = 	snop  }
__scs_overlays_trampoline_lowered:
0x8: {  	[smem:$0x3FA0] =	sst s0  }
0x9: {  	[smem:$0x3FA1] =	sst s1  }
0xa: {  	[smem:$0x3FA2] =	sst s2  }
0xb: {  	[smem:$0x3FA3] =	sst s3  }
0xc: {  	[smem:$0x3FA4] =	sst s4  }
0xd: {  	[smem:$0x3FA5] =	sst s5  }
0xe: {  	[smem:$0x3FA6] =	sst s6  }
0xf: {  	[smem:$0x3FA7] =	sst s7  }
0x10: {  	[smem:$0x3FA8] =	sst s8  }
0x11: {  	[smem:$0x3FA9] =	sst s9;
	s0 =	simm.s32 @!p0 $0x0  }
0x12: {  	s1 =	sld [smem:$0x3F8F];
	s0 =	simm.s32 @p0 $0x1  }
0x13: {  	[smem:$0x3FAA] =	sst s0;
	s0 =	simm.s32 @!p1 $0x0  }
0x14: {  	s2 =	sld [smem:$0x3F8E];
	s0 =	simm.s32 @p1 $0x1  }
0x15: {  	[smem:$0x3FAB] =	sst s0;
	s0 =	simm.s32 @!p2 $0x0  }
0x16: {  	s3 =	sld [smem:$0x3FDB];
	s0 =	simm.s32 @p2 $0x1  }
0x17: {  	s4 =	simm.s32 $0x1BF5;
	[smem:$0x3FAD] =	sst s0  }
0x18: {  	s0 =	sld [smem:$0x3F90];
	_ =	swait.ge [sflag:s4], $0x0  }
0x19: {  	s7 =	sld [smem:$0x3F91]  }
0x1a: {  	s8 =	sadd.s32 $0xFFFFE003, lr  }
0x1b: {  	s9 =	sadd.s32 $0xFFFFFEF7, lr;
	s5 =	simm.s32 $0xFFFFFFFF;
	p2 =	slt.u32 s8, $0xFFFFF086  }
0x1c: {  	p1 =	slt.u32 s9, $0xF7A;
	s5 =	simm.s32 @!p2 $0x0  }
0x1d: {  	s5 =	simm.s32 @p1 $0x1;
	p0 =	seq.s32 s7, s2  }
0x1e: {  	s7 =	smul.u32 @!p0 $0xF7A, s2;
	p2 =	seq.s32 @!p0 s5, $0x0  }
0x1f: {  	s9 =	smul.u32 $0xF7A, s1;
	s8 =	simm.s32 @!p0 $0x1BF5;
	p2 =	por !p2, p0  }
0x20: {  	[sflag:s8] =	ssyncset.s32 @!p0 $0xFFFFF086;
	s6 =	sadd.s32 @!p0 s3, s7;
	s7 =	simm.s32 @!p0 $0x108  }
0x21: {  	s3 =	sadd.s32 s3, s9;
	s6 =	sadd.s32 @!p0 $0x88, s6;
	s7 =	simm.s32 @p2 $0x1082  }
0x22: {  	[simem:s7], [sflag:s8] =	dma.local @!p0 [hbm:s6], $0xF7A  }
0x23: {  	s9 =	sor.u32 $0xD0000000, s2;
	s6 =	simm.s32 $0x108;
	_ =	swait.ge @!p0 [sflag:s8], $0x0  }
0x24: {  	s3 =	sadd.s32 $0x88, s3;
	s6 =	simm.s32 @!p1 $0x1082;
	[sflag:s4] =	ssyncset.s32 $0xFFFFF086  }
0x25: {  	[simem:s6], [sflag:s4] =	dma.local [hbm:s3], $0xF7A  }
0x26: {  	[smem:$0x3F91] =	sst s1;
	(tag) =	ssettag s2;
	_ =	strace s9  }
0x27: {  	s1 =	sld [smem:$0x3FA1]  }
0x28: {  	s2 =	sld [smem:$0x3FA2]  }
0x29: {  	s4 =	sld [smem:$0x3FA4]  }
0x2a: {  	p0 =	seq.s32 s5, $0x0;
	s5 =	sld [smem:$0x3FA5]  }
0x2b: {  	s6 =	sld [smem:$0x3FA6]  }
0x2c: {  	s7 =	sld [smem:$0x3FA7]  }
0x2d: {  	s3 =	simm.s32 $0x108;
	s8 =	sld [smem:$0x3FA8]  }
0x2e: {  	s3 =	simm.s32 @!p0 $0x1082;
	s9 =	sld [smem:$0x3FA9]  }
0x2f: {  	lr =	sadd.s32 s0, s3;
	s0 =	sld [smem:$0x3FA0]  }
0x30: {  	s3 =	sld [smem:$0x3FA3]  }
0x31: {  	[smem:$0x3FAC] =	sst s10  }
0x32: {  	s10 =	sld [smem:$0x3FAA];
	_ =	sdelay $0x3  }
0x33: {  	p0 =	seq.s32 s10, $0x1;
	s10 =	sld [smem:$0x3FAC];
	_ =	sdelay $0x3  }
0x34: {  	[smem:$0x3FAC] =	sst s10  }
0x35: {  	s10 =	sld [smem:$0x3FAB];
	_ =	sdelay $0x3  }
0x36: {  	p1 =	seq.s32 s10, $0x1;
	s10 =	sld [smem:$0x3FAC];
	_ =	sdelay $0x3  }
0x37: {  	[smem:$0x3FAC] =	sst s10  }
0x38: {  	s10 =	sld [smem:$0x3FAD]  }
0x39: {  	_ = 	snop;
	(pc) =	sbr.ind lr, $3  }
0x3a: {  	_ = 	snop  }
0x3b: {  	_ = 	snop  }
0x3c: {  	p2 =	seq.s32 s10, $0x1;
	s10 =	sld [smem:$0x3FAC]  }
0x3d: {  	_ =	shalt  }
0x3e: {  	_ =	shalt  }
0x3f: {  	_ =	shalt  }
0x40: {  	_ =	shalt  }
0x41: {  	_ =	shalt  }
0x42: {  	_ =	shalt  }
0x43: {  	_ =	shalt  }
0x44: {  	_ =	shalt  }
0x45: {  	_ =	shalt  }
0x46: {  	_ =	shalt  }
0x47: {  	_ =	shalt  }
0x48: {  	_ =	shalt  }
0x49: {  	_ =	shalt  }
0x4a: {  	_ =	shalt  }
0x4b: {  	_ =	shalt  }
0x4c: {  	_ =	shalt  }
0x4d: {  	_ =	shalt  }
0x4e: {  	_ =	shalt  }
0x4f: {  	_ =	shalt  }
0x50: {  	_ =	shalt  }
0x51: {  	_ =	shalt  }
0x52: {  	_ =	shalt  }
0x53: {  	_ =	shalt  }
0x54: {  	_ =	shalt  }
0x55: {  	_ =	shalt  }
0x56: {  	_ =	shalt  }
0x57: {  	_ =	shalt  }
0x58: {  	_ =	shalt  }
0x59: {  	_ =	shalt  }
0x5a: {  	_ =	shalt  }
0x5b: {  	_ =	shalt  }
0x5c: {  	_ =	shalt  }
0x5d: {  	_ =	shalt  }
0x5e: {  	_ =	shalt  }
0x5f: {  	_ =	shalt  }
0x60: {  	_ =	shalt  }
0x61: {  	_ =	shalt  }
0x62: {  	_ =	shalt  }
0x63: {  	_ =	shalt  }
0x64: {  	_ =	shalt  }
0x65: {  	_ =	shalt  }
0x66: {  	_ =	shalt  }
0x67: {  	_ =	shalt  }
0x68: {  	_ =	shalt  }
0x69: {  	_ =	shalt  }
0x6a: {  	_ =	shalt  }
0x6b: {  	_ =	shalt  }
0x6c: {  	_ =	shalt  }
0x6d: {  	_ =	shalt  }
0x6e: {  	_ =	shalt  }
0x6f: {  	_ =	shalt  }
0x70: {  	_ =	shalt  }
0x71: {  	_ =	shalt  }
0x72: {  	_ =	shalt  }
0x73: {  	_ =	shalt  }
0x74: {  	_ =	shalt  }
0x75: {  	_ =	shalt  }
0x76: {  	_ =	shalt  }
0x77: {  	_ =	shalt  }
0x78: {  	_ =	shalt  }
0x79: {  	_ =	shalt  }
0x7a: {  	_ =	shalt  }
0x7b: {  	_ =	shalt  }
0x7c: {  	_ =	shalt  }
0x7d: {  	_ =	shalt  }
0x7e: {  	_ =	shalt  }
0x7f: {  	_ =	shalt  }
0x80: {  	_ =	shalt  }
0x81: {  	_ =	shalt  }
0x82: {  	_ =	shalt  }
0x83: {  	_ =	shalt  }
0x84: {  	_ =	shalt  }
0x85: {  	_ =	shalt  }
0x86: {  	_ =	shalt  }
0x87: {  	_ =	shalt  }
.Lfunc_end0:
.L_simem_size_0:
called_computation_lowered:
.L_overlay_start_0:
0x88: {  	s2 =	sld [smem:$0x3FD9]  }
0x89: {  	s3 =	sld [smem:$0x3FFE];
	_ =	sdelay $0x1  }
0x8a: {  	s1 =	srdreg.scid  }
0x8b: {  	s0 =	sand.u32 $0x1, s1  }
0x8c: {  	s17 =	sshll.u32 s0, $0xA;
	s2 =	sadd.s32 s3, s2  }
0x8d: {  	s2 =	sadd.s32 s2, s17  }
0x8e: {  	[smem:$0x3FB8] =	sst s2  }
0x8f: {  	_ = 	snop  }
0x90: {  	s18 =	sld [smem:$0x3FC9];
	(tm) =	ssettm $0x1  }
0x91: {  	s19 =	sld [smem:$0x3FFB];
	_ =	sdelay $0x3  }
0x92: {  	_ =	strace s19  }
0x93: {  	s2 =	sld [smem:$0x3FFC];
	_ =	sdelay $0x3  }
0x94: {  	_ =	strace s2  }
0x95: {  	s2 =	sld [smem:$0x3FFD];
	_ =	sdelay $0x3  }
0x96: {  	_ =	strace s2  }
0x97: {  	_ =	strace $0x8FFFFFFF  }
0x98: {  	s20 =	sld [smem:$0x3FDB];
	_ =	sdelay $0x1  }
0x99: {  	s4 =	simm.s32 $_scs_section_size  }
0x9a: {  	s5 =	simm.s32 $_size__tile_overlayer_lowered;
	s6 =	simm.s32 $_tile_overlayer_lowered  }
0x9b: {  	s7 =	simm.s32 $0x1BFF;
	s21 =	sshll.u32 s6, $0x1;
	s4 =	sadd.s32 s4, s20  }
0x9c: {  	s22 =	simm.s32 $0x0;
	s5 =	sshll.u32 s5, $0x1;
	s6 =	sadd.s32 s21, s4  }
0x9d: {  	[timem:s22], [sflag:s7] =	dma.local [hbm:s6], s5  }
0x9e: {  	_ =	swait.ge [sflag:s7], s5  }
0x9f: {  	s5 =	ssub.s32 $0x0, s5;
	[sflag:s7] =	ssyncset.done $0x0  }
0xa0: {  	[sflag:s7] =	ssyncadd.s32 s5;
	_ =	sdelay $0x1  }
0xa1: {  	s23 =	simm.s32 $0x1B8B  }
0xa2: {  	_ =	swait.ge [sflag:s23], $0x1  }
0xa3: {  	[sflag:s23] =	ssyncset.done $0x0  }
0xa4: {  	[sflag:s23] =	ssyncadd.s32 $0xFFFFFFFF  }
0xa5: {  	s5 =	sld [smem:$0x0]  }
0xa6: {  	s6 =	sand.u32 $0xFFFFFFFE, s1  }
0xa7: {  	p0 =	sne.s32 s1, s6  }
0xa8: {  	s6 =	sshll.u32 @p0 s6, $0xE  }
0xa9: {  	s6 =	sadd.s32 @p0 $0x11B8D, s6;
	s7 =	sshll.u32 @p0 s5, $0x11  }
0xaa: {  	s6 =	sor.u32 @p0 s7, s6  }
0xab: {  	[sflag:s6] =	ssyncadd.remote.s32 @p0 $0x1;
	_ =	sdelay $0x1  }
0xac: {  	s6 =	simm.s32 @p0 $0x1B8D  }
0xad: {  	_ =	swait.eq @p0 [sflag:s6], $0x1  }
0xae: {  	[sflag:s6] =	ssyncadd.s32 @p0 $0xFFFFFFFF  }
0xaf: {  	s7 =	sshll.u32 @!p0 s1, $0xE  }
0xb0: {  	s7 =	sor.u32 @!p0 $0x4000, s7;
	s6 =	simm.s32 @!p0 $0x1B8D  }
0xb1: {  	s5 =	sshll.u32 @!p0 s5, $0x11;
	s7 =	sadd.s32 @!p0 $0x11B8D, s7;
	_ =	swait.eq @!p0 [sflag:s6], $0x1  }
0xb2: {  	s5 =	sor.u32 @!p0 s5, s7;
	[sflag:s6] =	ssyncadd.s32 @!p0 $0xFFFFFFFF  }
0xb3: {  	s25 =	simm.s32 $0x1B8E;
	s24 =	sld [smem:$0x3FFE];
	[sflag:s5] =	ssyncadd.remote.s32 @!p0 $0x1  }
0xb4: {  	s26 =	simm.s32 $execute0_lowered;
	[smem:$0x3FD2] =	sst s25  }
0xb5: {  	s6 =	sshll.u32 s26, $0x1;
	_ =	strace $0x80000049;
	[dreg:$0x1] =	wrdreg $0xFFFFFFFF  }
0xb6: {  	s28 =	simm.s32 $_size_execute0_lowered;
	s4 =	sadd.s32 s4, s6;
	[dreg:$0x0] =	wrdreg $0x0  }
0xb7: {  	s6 =	sshll.u32 s28, $0x1;
	[dreg:$0x2] =	wrdreg s4  }
0xb8: {  	[dreg:$0x3] =	wrdreg s6  }
0xb9: {  	[dreg:$0x4] =	wrdreg $0xC0  }
0xba: {  	_ =	task [dreg:s22], $0x5FFFF  }
0xbb: {  	[dreg:$0x1] =	wrdreg $0xFFFFFFFF  }
0xbc: {  	[dreg:$0x0] =	wrdreg $0x60  }
0xbd: {  	[dreg:$0x2] =	wrdreg s18  }
0xbe: {  	[dreg:$0x3] =	wrdreg s24  }
0xbf: {  	[dreg:$0x4] =	wrdreg $0x9  }
0xc0: {  	_ =	task.clear_ibuf [dreg:s22], $0x5FFFF;
	_ =	strace $0x90000049  }
0xc1: {  	s29 =	simm.s32 $0x9;
	_ =	strace $0x8000004B  }
0xc2: {  	_ =	swait.ge [sflag:s29], $0x1  }
0xc3: {  	[sflag:s29] =	ssyncadd.s32 $0xFFFFFFFF  }
0xc4: {  	_ =	strace $0x9000004B  }
0xc5: {  	_ =	sfence  }
0xc6: {  	s30 =	sld [smem:$0x0];
	_ =	sdelay $0x2  }
0xc7: {  	s31 =	sshll.u32 s1, $0xD;
	s1 =	sshrl.u32 s1, $0x2  }
0xc8: {  	s4 =	sand.u32 $0x4000, s31;
	s1 =	sadd.s32 s1, s30  }
0xc9: {  	s0 =	sor.u32 s4, s0;
	s1 =	sshll.u32 s1, $0x11  }
0xca: {  	s0 =	sor.u32 s1, s0  }
0xcb: {  	s0 =	sadd.s32 $0x8F2B, s0  }
0xcc: {  	[sflag:s0] =	ssyncadd.remote.s32 $0x1  }
0xcd: {  	_ =	sfence.sel $0xFFFF  }
0xce: {  	[dreg:$0x0] =	wrdreg $0xFFFFFFFF;
	(pc) =	sbr.abs _section_cstart, $3  }
0xcf: {  	[dreg:$0x1] =	wrdreg $0xFFFFFFFF  }
0xd0: {  	_ =	task.clear_ibuf [dreg:s22], $0x2FFFF;
	_ =	strace $0x9FFFFFFF  }
0xd1: {  	(tm) =	ssettm $0x7FFFFFFF  }
tec
execute0_lowered:
.L_overlay_start_1:
0x0: {  	(tag) =	ssettag $0x1  }
0x1: {  	s1 =	srdreg.scid  }
0x2: {  	s3 =	rddreg [dreg:$0x0];
	s0 =	stileid.u32  }
0x3: {  	s5 =	rddreg [dreg:$0x1];
	s2 =	simm.s32 $0x0;
	s8 =	simm.s32 $0x80  }
0x4: {  	s26 =	simm.s32 $0x880;
	s9 =	simm.s32 $0x1080;
	s10 =	simm.s32 $0x1880  }
0x5: {  	s11 =	simm.s32 $0x2080;
	s12 =	simm.s32 $0x2880;
	s13 =	simm.s32 $0x3080  }
0x6: {  	s14 =	simm.s32 $0x3880;
	s15 =	simm.s32 $0x4080;
	s16 =	simm.s32 $0x4880  }
0x7: {  	s17 =	simm.s32 $0x5080;
	s18 =	simm.s32 $0x5880;
	s19 =	simm.s32 $0x6080  }
0x8: {  	s20 =	simm.s32 $0x6880;
	s21 =	simm.s32 $0x7080;
	s22 =	simm.s32 $0x7880  }
0x9: {  	s23 =	simm.s32 $0x8080;
	s24 =	simm.s32 $0x8880;
	s25 =	simm.s32 $0x9080  }
0xa: {  	s28 =	simm.s32 $0xA080;
	s29 =	simm.s32 $0xA880;
	s30 =	simm.s32 $0xB080  }
0xb: {  	s31 =	simm.s32 $0xB880;
	s1 =	sand.u32 $0x1, s1;
	[smem:$0x7FF] =	sst s2  }
0xc: {  	s4 =	sshll.u32 s0, $0x4;
	s6 =	sshll.u32 s1, $0x3;
	_ =	strace $0x8000004A  }
0xd: {  	s1 =	ssub.s32 $0x2, s1;
	[dreg:$0x5] =	wrdreg s26;
	s4 =	sor.u32 s6, s4  }
0xe: {  	s7 =	sshrl.u32 s1, $0x1;
	s6 =	sadd.s32 s4, s5;
	s4 =	smul.u32 $0x300, s4  }
0xf: {  	s26 =	simm.s32 $0x9880;
	s1 =	ssub.s32 s1, s7;
	s6 =	sadd.s32 $0x4000, s6  }
0x10: {  	v2 =	vlaneseq.u32;
	s7 =	simm.s32 $0x2;
	[dreg:$0x3] =	wrdreg s6;
	s4 =	sadd.s32 s3, s4  }
0x11: {  	vm0 =	vmmov $0xffff;
	v1 =	vshrl.u32 v2, $0x3;
	s3 =	sadd.s32 $0x4C200, s5;
	s6 =	smax.u32 s1, $0x1;
	s1 =	simm.s32 $0x1  }
0x12: {  	v0 =	vand.u32 $0x7, v2;
	v2 =	vor.u32 $0x8, v2;
	v1 =	vmul.u32 $0x8, v1;
	[dreg:$0x4] =	wrdreg s4;
	s4 =	sadd.s32 $0x4C300, s5;
	s5 =	sadd.s32 $0x4C400, s5  }
.LBB2_1:
0x13: {  	s0 =	rddreg [dreg:$0x3]  }
0x14: {  	[tilespmem:s2], [sflag:$0x2] =	stream.linear.gather [hbm4b:s0+s2], $0x40, $0x38;
	[tilespmem:$0xC080] =	vst v63  }
0x15: {  	_ =	swait.ge [sflag:s7], $0x40  }
0x16: {  	[sflag:s7] =	ssyncset.done $0x0  }
0x17: {  	s0 =	rddreg [dreg:$0x4];
	[sflag:s7] =	ssyncadd.s32 $0xFFFFFFC0  }
0x18: {  	[tilespmem:s8], [sflag:$0x2] =	stream.linear.gather [hbm4b:s0+s2], $0xC000, $0x38;
	[tilespmem:$0xC080] =	vst v63  }
0x19: {  	_ =	swait.ge [sflag:s7], $0xC000  }
0x1a: {  	[sflag:s7] =	ssyncset.done $0x0  }
0x1b: {  	[sflag:s7] =	ssyncadd.s32 $0xFFFF4000  }
0x1c: {  	v3 =	vld [tilespmem:$0x0];
	_ =	sdelay $0x4  }
0x1d: {  	v4 =	vshrl.u32 v3, $0x3  }
0x1e: {  	v4 =	vmul.u32 $0x30, v4  }
0x1f: {  	v3 =	vand.u32 $0x7, v3  }
0x20: {  	v3 =	vor.u32 v3, v4  }
0x21: {  	v4 =	vperm.xlane v3, v0;
	_ =	sdelay $0x1  }
0x22: {  	v4 =	vadd.s32 v1, v4;
	_ =	sdelay $0x3  }
0x23: {  	v3 =	vperm.xlane v3, v2  }
0x24: {  	[hbm4b:s3+s2] =	stream.indirect_vreg.scatter [tilespmem:s8], [sflag:$0x1], $0x80, v4, vm0, $0xb8;
	[tilespmem:$0xC080] =	vst v63  }
0x25: {  	s0 =	rddreg [dreg:$0x5];
	v3 =	vadd.s32 v1, v3  }
0x26: {  	[hbm4b:s4+s2] =	stream.indirect_vreg.scatter [tilespmem:s0], [sflag:$0x1], $0x80, v4, vm0, $0xb8;
	[tilespmem:$0xC080] =	vst v63  }
0x27: {  	_ = 	snop  }
0x28: {  	[hbm4b:s5+s2] =	stream.indirect_vreg.scatter [tilespmem:s9], [sflag:$0x1], $0x80, v4, vm0, $0xb8;
	[tilespmem:$0xC080] =	vst v63  }
0x29: {  	_ = 	snop  }
0x2a: {  	[hbm4b:s3+s2] =	stream.indirect_vreg.scatter [tilespmem:s10], [sflag:$0x1], $0x80, v3, vm0, $0xb8;
	[tilespmem:$0xC080] =	vst v63  }
0x2b: {  	_ = 	snop  }
0x2c: {  	[hbm4b:s4+s2] =	stream.indirect_vreg.scatter [tilespmem:s11], [sflag:$0x1], $0x80, v3, vm0, $0xb8;
	[tilespmem:$0xC080] =	vst v63  }
0x2d: {  	_ = 	snop  }
0x2e: {  	[hbm4b:s5+s2] =	stream.indirect_vreg.scatter [tilespmem:s12], [sflag:$0x1], $0x80, v3, vm0, $0xb8;
	[tilespmem:$0xC080] =	vst v63  }
0x2f: {  	v3 =	vld [tilespmem:$0x10];
	_ =	sdelay $0x4  }
0x30: {  	v61 =	vshrl.u32 v3, $0x3  }
0x31: {  	v4 =	vmul.u32 $0x30, v61  }
0x32: {  	v3 =	vand.u32 $0x7, v3  }
0x33: {  	v3 =	vor.u32 v3, v4  }
0x34: {  	v4 =	vperm.xlane v3, v0;
	_ =	sdelay $0x1  }
0x35: {  	v4 =	vadd.s32 v1, v4;
	_ =	sdelay $0x3  }
0x36: {  	v3 =	vperm.xlane v3, v2  }
0x37: {  	[hbm4b:s3+s2] =	stream.indirect_vreg.scatter [tilespmem:s13], [sflag:$0x1], $0x80, v4, vm0, $0xb8;
	[tilespmem:$0xC080] =	vst v63  }
0x38: {  	v3 =	vadd.s32 v1, v3  }
0x39: {  	[hbm4b:s4+s2] =	stream.indirect_vreg.scatter [tilespmem:s14], [sflag:$0x1], $0x80, v4, vm0, $0xb8;
	[tilespmem:$0xC080] =	vst v63  }
0x3a: {  	_ = 	snop  }
0x3b: {  	[hbm4b:s5+s2] =	stream.indirect_vreg.scatter [tilespmem:s15], [sflag:$0x1], $0x80, v4, vm0, $0xb8;
	[tilespmem:$0xC080] =	vst v63  }
0x3c: {  	_ = 	snop  }
0x3d: {  	[hbm4b:s3+s2] =	stream.indirect_vreg.scatter [tilespmem:s16], [sflag:$0x1], $0x80, v3, vm0, $0xb8;
	[tilespmem:$0xC080] =	vst v63  }
0x3e: {  	_ = 	snop  }
0x3f: {  	[hbm4b:s4+s2] =	stream.indirect_vreg.scatter [tilespmem:s17], [sflag:$0x1], $0x80, v3, vm0, $0xb8;
	[tilespmem:$0xC080] =	vst v63  }
0x40: {  	_ = 	snop  }
0x41: {  	[hbm4b:s5+s2] =	stream.indirect_vreg.scatter [tilespmem:s18], [sflag:$0x1], $0x80, v3, vm0, $0xb8;
	[tilespmem:$0xC080] =	vst v63  }
0x42: {  	v3 =	vld [tilespmem:$0x20];
	_ =	sdelay $0x4  }
0x43: {  	v62 =	vshrl.u32 v3, $0x3  }
0x44: {  	v4 =	vmul.u32 $0x30, v62  }
0x45: {  	v3 =	vand.u32 $0x7, v3  }
0x46: {  	v3 =	vor.u32 v3, v4  }
0x47: {  	v4 =	vperm.xlane v3, v0;
	_ =	sdelay $0x1  }
0x48: {  	v4 =	vadd.s32 v1, v4;
	_ =	sdelay $0x3  }
0x49: {  	v3 =	vperm.xlane v3, v2  }
0x4a: {  	[hbm4b:s3+s2] =	stream.indirect_vreg.scatter [tilespmem:s19], [sflag:$0x1], $0x80, v4, vm0, $0xb8;
	[tilespmem:$0xC080] =	vst v63  }
0x4b: {  	v3 =	vadd.s32 v1, v3  }
0x4c: {  	[hbm4b:s4+s2] =	stream.indirect_vreg.scatter [tilespmem:s20], [sflag:$0x1], $0x80, v4, vm0, $0xb8;
	[tilespmem:$0xC080] =	vst v63  }
0x4d: {  	_ = 	snop  }
0x4e: {  	[hbm4b:s5+s2] =	stream.indirect_vreg.scatter [tilespmem:s21], [sflag:$0x1], $0x80, v4, vm0, $0xb8;
	[tilespmem:$0xC080] =	vst v63  }
0x4f: {  	_ = 	snop  }
0x50: {  	[hbm4b:s3+s2] =	stream.indirect_vreg.scatter [tilespmem:s22], [sflag:$0x1], $0x80, v3, vm0, $0xb8;
	[tilespmem:$0xC080] =	vst v63  }
0x51: {  	_ = 	snop  }
0x52: {  	[hbm4b:s4+s2] =	stream.indirect_vreg.scatter [tilespmem:s23], [sflag:$0x1], $0x80, v3, vm0, $0xb8;
	[tilespmem:$0xC080] =	vst v63  }
0x53: {  	_ = 	snop  }
0x54: {  	[hbm4b:s5+s2] =	stream.indirect_vreg.scatter [tilespmem:s24], [sflag:$0x1], $0x80, v3, vm0, $0xb8;
	[tilespmem:$0xC080] =	vst v63  }
0x55: {  	v3 =	vld [tilespmem:$0x30];
	_ =	sdelay $0x4  }
0x56: {  	v63 =	vshrl.u32 v3, $0x3  }
0x57: {  	v4 =	vmul.u32 $0x30, v63  }
0x58: {  	v3 =	vand.u32 $0x7, v3  }
0x59: {  	v3 =	vor.u32 v3, v4  }
0x5a: {  	v4 =	vperm.xlane v3, v0;
	_ =	sdelay $0x1  }
0x5b: {  	v4 =	vadd.s32 v1, v4;
	_ =	sdelay $0x3  }
0x5c: {  	v3 =	vperm.xlane v3, v2  }
0x5d: {  	[hbm4b:s3+s2] =	stream.indirect_vreg.scatter [tilespmem:s25], [sflag:$0x1], $0x80, v4, vm0, $0xb8;
	[tilespmem:$0xC080] =	vst v63  }
0x5e: {  	v3 =	vadd.s32 v1, v3  }
0x5f: {  	[hbm4b:s4+s2] =	stream.indirect_vreg.scatter [tilespmem:s26], [sflag:$0x1], $0x80, v4, vm0, $0xb8;
	[tilespmem:$0xC080] =	vst v63  }
0x60: {  	_ = 	snop  }
0x61: {  	[hbm4b:s5+s2] =	stream.indirect_vreg.scatter [tilespmem:s28], [sflag:$0x1], $0x80, v4, vm0, $0xb8;
	[tilespmem:$0xC080] =	vst v63  }
0x62: {  	_ = 	snop  }
0x63: {  	[hbm4b:s3+s2] =	stream.indirect_vreg.scatter [tilespmem:s29], [sflag:$0x1], $0x80, v3, vm0, $0xb8;
	[tilespmem:$0xC080] =	vst v63  }
0x64: {  	p0 =	sne.s32 s6, $0x1  }
0x65: {  	[hbm4b:s4+s2] =	stream.indirect_vreg.scatter [tilespmem:s30], [sflag:$0x1], $0x80, v3, vm0, $0xb8;
	[tilespmem:$0xC080] =	vst v63  }
.Ltmp0:
0x66: {  	_ = 	snop;
	(pc) =	sbr.rel @p0 .LBB2_1-.Ltmp0, $4  }
0x67: {  	[hbm4b:s5+s2] =	stream.indirect_vreg.scatter [tilespmem:s31], [sflag:$0x1], $0x80, v3, vm0, $0xb8;
	[tilespmem:$0xC080] =	vst v63  }
0x68: {  	_ =	swait.ge [sflag:s1], $0xC000  }
0x69: {  	[sflag:s1] =	ssyncset.done $0x0  }
0x6a: {  	s6 =	sadd.s32 $0xFFFFFFFF, s6;
	[sflag:s1] =	ssyncadd.s32 $0xFFFF4000  }
0x6b: {  	_ =	sfence.sel $0x180000  }
0x6c: {  	[bflag:$0x0] =	sbarrier.arrive $0xFFFF  }
0x6d: {  	_ =	strace $0x9000004A  }
0x6e: {  	s0 =	stileid.u32;
	[bflag:$0x2] =	sbarrier.arrive $0xFFFF  }
0x6f: {  	p0 =	sne.s32 s0, $0x0;
	s0 =	rddreg [dreg:$0x2]  }
0x70: {  	s0 =	sadd.s32 @!p0 $0x100000, s0  }
0x71: {  	[sflag:s0] =	ssyncadd.tile.s32 @!p0 $0x1;
	_ =	shalt  }
.Lfunc_end2:
_tile_overlayer_lowered:
.L_overlay_start_2:
0x72: {  	(tag) =	ssettag $0x2  }
0x73: {  	s0 =	rddreg [dreg:$0x0];
	s2 =	stileid.u32  }
0x74: {  	s1 =	rddreg [dreg:$0x1];
	p0 =	sne.s32 s2, $0x0  }
0x75: {  	s3 =	rddreg [dreg:$0x2];
	[bflag:$0x3] =	sbarrier.arrive $0xFFFF;
	s2 =	simm.s32 @!p0 $0x1C02  }
0x76: {  	[timem:s3], [sflag:s2] =	dma.local @!p0 [hbm:s0], s1  }
0x77: {  	s0 =	simm.s32 @!p0 $0x2  }
0x78: {  	_ =	swait.ge @!p0 [sflag:s0], s1  }
0x79: {  	s1 =	ssub.s32 @!p0 $0x0, s1;
	[sflag:s0] =	ssyncset.done @!p0 $0x0  }
0x7a: {  	[sflag:s0] =	ssyncadd.s32 @!p0 s1  }
0x7b: {  	[bflag:$0x3] =	sbarrier.arrive $0xFFFF  }
0x7c: {  	_ =	shalt  }

// kernel: kernel.14.cloned.1.call-start
scs
__scs_entry_jumppad:
0x0: {  	(pc) =	sbr.rel $0x88, $3  }
0x1: {  	(tag) =	ssettag $0x0;
	lr =	simm.s32 $0x1  }
0x2: {  	[smem:$0x3F91] =	sst lr;
	_ =	strace $0xD0000000  }
0x3: {  	_ = 	snop  }
0x4: {  	_ = 	snop  }
0x5: {  	_ = 	snop  }
0x6: {  	_ = 	snop  }
0x7: {  	_ = 	snop  }
__scs_overlays_trampoline_lowered:
0x8: {  	[smem:$0x3FA0] =	sst s0  }
0x9: {  	[smem:$0x3FA1] =	sst s1  }
0xa: {  	[smem:$0x3FA2] =	sst s2  }
0xb: {  	[smem:$0x3FA3] =	sst s3  }
0xc: {  	[smem:$0x3FA4] =	sst s4  }
0xd: {  	[smem:$0x3FA5] =	sst s5  }
0xe: {  	[smem:$0x3FA6] =	sst s6  }
0xf: {  	[smem:$0x3FA7] =	sst s7  }
0x10: {  	[smem:$0x3FA8] =	sst s8  }
0x11: {  	[smem:$0x3FA9] =	sst s9;
	s0 =	simm.s32 @!p0 $0x0  }
0x12: {  	s1 =	sld [smem:$0x3F8F];
	s0 =	simm.s32 @p0 $0x1  }
0x13: {  	[smem:$0x3FAA] =	sst s0;
	s0 =	simm.s32 @!p1 $0x0  }
0x14: {  	s2 =	sld [smem:$0x3F8E];
	s0 =	simm.s32 @p1 $0x1  }
0x15: {  	[smem:$0x3FAB] =	sst s0;
	s0 =	simm.s32 @!p2 $0x0  }
0x16: {  	s3 =	sld [smem:$0x3FDB];
	s0 =	simm.s32 @p2 $0x1  }
0x17: {  	s4 =	simm.s32 $0x1BF5;
	[smem:$0x3FAD] =	sst s0  }
0x18: {  	s0 =	sld [smem:$0x3F90];
	_ =	swait.ge [sflag:s4], $0x0  }
0x19: {  	s7 =	sld [smem:$0x3F91]  }
0x1a: {  	s8 =	sadd.s32 $0xFFFFE003, lr  }
0x1b: {  	s9 =	sadd.s32 $0xFFFFFEF7, lr;
	s5 =	simm.s32 $0xFFFFFFFF;
	p2 =	slt.u32 s8, $0xFFFFF086  }
0x1c: {  	p1 =	slt.u32 s9, $0xF7A;
	s5 =	simm.s32 @!p2 $0x0  }
0x1d: {  	s5 =	simm.s32 @p1 $0x1;
	p0 =	seq.s32 s7, s2  }
0x1e: {  	s7 =	smul.u32 @!p0 $0xF7A, s2;
	p2 =	seq.s32 @!p0 s5, $0x0  }
0x1f: {  	s9 =	smul.u32 $0xF7A, s1;
	s8 =	simm.s32 @!p0 $0x1BF5;
	p2 =	por !p2, p0  }
0x20: {  	[sflag:s8] =	ssyncset.s32 @!p0 $0xFFFFF086;
	s6 =	sadd.s32 @!p0 s3, s7;
	s7 =	simm.s32 @!p0 $0x108  }
0x21: {  	s3 =	sadd.s32 s3, s9;
	s6 =	sadd.s32 @!p0 $0x88, s6;
	s7 =	simm.s32 @p2 $0x1082  }
0x22: {  	[simem:s7], [sflag:s8] =	dma.local @!p0 [hbm:s6], $0xF7A  }
0x23: {  	s9 =	sor.u32 $0xD0000000, s2;
	s6 =	simm.s32 $0x108;
	_ =	swait.ge @!p0 [sflag:s8], $0x0  }
0x24: {  	s3 =	sadd.s32 $0x88, s3;
	s6 =	simm.s32 @!p1 $0x1082;
	[sflag:s4] =	ssyncset.s32 $0xFFFFF086  }
0x25: {  	[simem:s6], [sflag:s4] =	dma.local [hbm:s3], $0xF7A  }
0x26: {  	[smem:$0x3F91] =	sst s1;
	(tag) =	ssettag s2;
	_ =	strace s9  }
0x27: {  	s1 =	sld [smem:$0x3FA1]  }
0x28: {  	s2 =	sld [smem:$0x3FA2]  }
0x29: {  	s4 =	sld [smem:$0x3FA4]  }
0x2a: {  	p0 =	seq.s32 s5, $0x0;
	s5 =	sld [smem:$0x3FA5]  }
0x2b: {  	s6 =	sld [smem:$0x3FA6]  }
0x2c: {  	s7 =	sld [smem:$0x3FA7]  }
0x2d: {  	s3 =	simm.s32 $0x108;
	s8 =	sld [smem:$0x3FA8]  }
0x2e: {  	s3 =	simm.s32 @!p0 $0x1082;
	s9 =	sld [smem:$0x3FA9]  }
0x2f: {  	lr =	sadd.s32 s0, s3;
	s0 =	sld [smem:$0x3FA0]  }
0x30: {  	s3 =	sld [smem:$0x3FA3]  }
0x31: {  	[smem:$0x3FAC] =	sst s10  }
0x32: {  	s10 =	sld [smem:$0x3FAA];
	_ =	sdelay $0x3  }
0x33: {  	p0 =	seq.s32 s10, $0x1;
	s10 =	sld [smem:$0x3FAC];
	_ =	sdelay $0x3  }
0x34: {  	[smem:$0x3FAC] =	sst s10  }
0x35: {  	s10 =	sld [smem:$0x3FAB];
	_ =	sdelay $0x3  }
0x36: {  	p1 =	seq.s32 s10, $0x1;
	s10 =	sld [smem:$0x3FAC];
	_ =	sdelay $0x3  }
0x37: {  	[smem:$0x3FAC] =	sst s10  }
0x38: {  	s10 =	sld [smem:$0x3FAD]  }
0x39: {  	_ = 	snop;
	(pc) =	sbr.ind lr, $3  }
0x3a: {  	_ = 	snop  }
0x3b: {  	_ = 	snop  }
0x3c: {  	p2 =	seq.s32 s10, $0x1;
	s10 =	sld [smem:$0x3FAC]  }
0x3d: {  	_ =	shalt  }
0x3e: {  	_ =	shalt  }
0x3f: {  	_ =	shalt  }
0x40: {  	_ =	shalt  }
0x41: {  	_ =	shalt  }
0x42: {  	_ =	shalt  }
0x43: {  	_ =	shalt  }
0x44: {  	_ =	shalt  }
0x45: {  	_ =	shalt  }
0x46: {  	_ =	shalt  }
0x47: {  	_ =	shalt  }
0x48: {  	_ =	shalt  }
0x49: {  	_ =	shalt  }
0x4a: {  	_ =	shalt  }
0x4b: {  	_ =	shalt  }
0x4c: {  	_ =	shalt  }
0x4d: {  	_ =	shalt  }
0x4e: {  	_ =	shalt  }
0x4f: {  	_ =	shalt  }
0x50: {  	_ =	shalt  }
0x51: {  	_ =	shalt  }
0x52: {  	_ =	shalt  }
0x53: {  	_ =	shalt  }
0x54: {  	_ =	shalt  }
0x55: {  	_ =	shalt  }
0x56: {  	_ =	shalt  }
0x57: {  	_ =	shalt  }
0x58: {  	_ =	shalt  }
0x59: {  	_ =	shalt  }
0x5a: {  	_ =	shalt  }
0x5b: {  	_ =	shalt  }
0x5c: {  	_ =	shalt  }
0x5d: {  	_ =	shalt  }
0x5e: {  	_ =	shalt  }
0x5f: {  	_ =	shalt  }
0x60: {  	_ =	shalt  }
0x61: {  	_ =	shalt  }
0x62: {  	_ =	shalt  }
0x63: {  	_ =	shalt  }
0x64: {  	_ =	shalt  }
0x65: {  	_ =	shalt  }
0x66: {  	_ =	shalt  }
0x67: {  	_ =	shalt  }
0x68: {  	_ =	shalt  }
0x69: {  	_ =	shalt  }
0x6a: {  	_ =	shalt  }
0x6b: {  	_ =	shalt  }
0x6c: {  	_ =	shalt  }
0x6d: {  	_ =	shalt  }
0x6e: {  	_ =	shalt  }
0x6f: {  	_ =	shalt  }
0x70: {  	_ =	shalt  }
0x71: {  	_ =	shalt  }
0x72: {  	_ =	shalt  }
0x73: {  	_ =	shalt  }
0x74: {  	_ =	shalt  }
0x75: {  	_ =	shalt  }
0x76: {  	_ =	shalt  }
0x77: {  	_ =	shalt  }
0x78: {  	_ =	shalt  }
0x79: {  	_ =	shalt  }
0x7a: {  	_ =	shalt  }
0x7b: {  	_ =	shalt  }
0x7c: {  	_ =	shalt  }
0x7d: {  	_ =	shalt  }
0x7e: {  	_ =	shalt  }
0x7f: {  	_ =	shalt  }
0x80: {  	_ =	shalt  }
0x81: {  	_ =	shalt  }
0x82: {  	_ =	shalt  }
0x83: {  	_ =	shalt  }
0x84: {  	_ =	shalt  }
0x85: {  	_ =	shalt  }
0x86: {  	_ =	shalt  }
0x87: {  	_ =	shalt  }
.Lfunc_end0:
.L_simem_size_0:
called_computation.1_lowered:
.L_overlay_start_0:
0x88: {  	s2 =	sld [smem:$0x3FD9]  }
0x89: {  	s3 =	sld [smem:$0x3FFE];
	_ =	sdelay $0x1  }
0x8a: {  	s1 =	srdreg.scid  }
0x8b: {  	s0 =	sand.u32 $0x1, s1  }
0x8c: {  	s17 =	sshll.u32 s0, $0xA;
	s2 =	sadd.s32 s3, s2  }
0x8d: {  	s2 =	sadd.s32 s2, s17  }
0x8e: {  	[smem:$0x3FB8] =	sst s2  }
0x8f: {  	_ = 	snop  }
0x90: {  	s2 =	sld [smem:$0x3FC9];
	(tm) =	ssettm $0x1  }
0x91: {  	s18 =	sld [smem:$0x3FFB];
	_ =	sdelay $0x3  }
0x92: {  	_ =	strace s18  }
0x93: {  	s3 =	sld [smem:$0x3FFC];
	_ =	sdelay $0x3  }
0x94: {  	_ =	strace s3  }
0x95: {  	s3 =	sld [smem:$0x3FFD];
	_ =	sdelay $0x3  }
0x96: {  	_ =	strace s3  }
0x97: {  	_ =	strace $0x8FFFFFFF  }
0x98: {  	s19 =	sld [smem:$0x3FDB];
	_ =	sdelay $0x1  }
0x99: {  	s4 =	simm.s32 $_scs_section_size  }
0x9a: {  	s5 =	simm.s32 $_size__tile_overlayer_lowered;
	s6 =	simm.s32 $_tile_overlayer_lowered  }
0x9b: {  	s22 =	simm.s32 $0x1BFF;
	s21 =	sshll.u32 s6, $0x1;
	s3 =	sadd.s32 s4, s19  }
0x9c: {  	s7 =	simm.s32 $0x0;
	s20 =	sshll.u32 s5, $0x1;
	s5 =	sadd.s32 s21, s3  }
0x9d: {  	[timem:s7], [sflag:s22] =	dma.local [hbm:s5], s20  }
0x9e: {  	_ =	swait.ge [sflag:s22], s20  }
0x9f: {  	s4 =	ssub.s32 $0x0, s20;
	[sflag:s22] =	ssyncset.done $0x0  }
0xa0: {  	[sflag:s22] =	ssyncadd.s32 s4;
	_ =	sdelay $0x1  }
0xa1: {  	s23 =	simm.s32 $0x1B8B  }
0xa2: {  	_ =	swait.ge [sflag:s23], $0x1  }
0xa3: {  	[sflag:s23] =	ssyncset.done $0x0  }
0xa4: {  	s25 =	simm.s32 $0x1B8E;
	s24 =	sld [smem:$0x3FFE];
	[sflag:s23] =	ssyncadd.s32 $0xFFFFFFFF  }
0xa5: {  	s26 =	simm.s32 $execute0_lowered;
	[smem:$0x3FD2] =	sst s25  }
0xa6: {  	s5 =	sshll.u32 s26, $0x1;
	_ =	strace $0x80000046;
	[dreg:$0x1] =	wrdreg $0xFFFFFFFF  }
0xa7: {  	s28 =	simm.s32 $_size_execute0_lowered;
	s3 =	sadd.s32 s3, s5;
	[dreg:$0x0] =	wrdreg $0x0  }
0xa8: {  	s5 =	sshll.u32 s28, $0x1;
	[dreg:$0x2] =	wrdreg s3  }
0xa9: {  	[dreg:$0x3] =	wrdreg s5  }
0xaa: {  	[dreg:$0x4] =	wrdreg $0xC0  }
0xab: {  	_ =	task [dreg:s7], $0x5FFFF  }
0xac: {  	[dreg:$0x1] =	wrdreg $0xFFFFFFFF  }
0xad: {  	[dreg:$0x0] =	wrdreg $0x60  }
0xae: {  	[dreg:$0x2] =	wrdreg s2  }
0xaf: {  	[dreg:$0x3] =	wrdreg s24  }
0xb0: {  	[dreg:$0x4] =	wrdreg $0xA  }
0xb1: {  	_ =	task.clear_ibuf [dreg:s7], $0x5FFFF;
	_ =	strace $0x90000046  }
0xb2: {  	s29 =	simm.s32 $0xA;
	_ =	strace $0x80000048  }
0xb3: {  	_ =	swait.ge [sflag:s29], $0x1  }
0xb4: {  	[sflag:s29] =	ssyncadd.s32 $0xFFFFFFFF  }
0xb5: {  	_ =	strace $0x90000048  }
0xb6: {  	_ =	sfence  }
0xb7: {  	s30 =	sld [smem:$0x0];
	_ =	sdelay $0x2  }
0xb8: {  	s31 =	sshll.u32 s1, $0xD;
	s1 =	sshrl.u32 s1, $0x2  }
0xb9: {  	s3 =	sand.u32 $0x4000, s31;
	s1 =	sadd.s32 s1, s30  }
0xba: {  	s0 =	sor.u32 s3, s0;
	s1 =	sshll.u32 s1, $0x11  }
0xbb: {  	s0 =	sor.u32 s1, s0  }
0xbc: {  	s0 =	sadd.s32 $0x8F2B, s0  }
0xbd: {  	[sflag:s0] =	ssyncadd.remote.s32 $0x1  }
0xbe: {  	_ =	sfence.sel $0xFFFF  }
0xbf: {  	[dreg:$0x0] =	wrdreg $0xFFFFFFFF;
	(pc) =	sbr.abs _section_cstart, $3  }
0xc0: {  	[dreg:$0x1] =	wrdreg $0xFFFFFFFF  }
0xc1: {  	_ =	task.clear_ibuf [dreg:s7], $0x2FFFF;
	_ =	strace $0x9FFFFFFF  }
0xc2: {  	(tm) =	ssettm $0x7FFFFFFF  }
0xc3: {  	_ =	shalt  }
tec
execute0_lowered:
.L_overlay_start_1:
0x0: {  	(tag) =	ssettag $0x1  }
0x1: {  	s1 =	srdreg.scid  }
0x2: {  	s3 =	rddreg [dreg:$0x0];
	s0 =	stileid.u32  }
0x3: {  	s5 =	rddreg [dreg:$0x1];
	s2 =	simm.s32 $0x0;
	s8 =	simm.s32 $0x80  }
0x4: {  	s26 =	simm.s32 $0x880;
	s9 =	simm.s32 $0x1080;
	s10 =	simm.s32 $0x1880  }
0x5: {  	s11 =	simm.s32 $0x2080;
	s12 =	simm.s32 $0x2880;
	s13 =	simm.s32 $0x3080  }
0x6: {  	s14 =	simm.s32 $0x3880;
	s15 =	simm.s32 $0x4080;
	s16 =	simm.s32 $0x4880  }
0x7: {  	s17 =	simm.s32 $0x5080;
	s18 =	simm.s32 $0x5880;
	s19 =	simm.s32 $0x6080  }
0x8: {  	s20 =	simm.s32 $0x6880;
	s21 =	simm.s32 $0x7080;
	s22 =	simm.s32 $0x7880  }
0x9: {  	s23 =	simm.s32 $0x8080;
	s24 =	simm.s32 $0x8880;
	s25 =	simm.s32 $0x9080  }
0xa: {  	s28 =	simm.s32 $0xA080;
	s29 =	simm.s32 $0xA880;
	s30 =	simm.s32 $0xB080  }
0xb: {  	s31 =	simm.s32 $0xB880;
	s1 =	sand.u32 $0x1, s1;
	[smem:$0x7FF] =	sst s2  }
0xc: {  	s4 =	sshll.u32 s0, $0x4;
	s6 =	sshll.u32 s1, $0x3;
	_ =	strace $0x80000047  }
0xd: {  	s1 =	ssub.s32 $0x2, s1;
	[dreg:$0x5] =	wrdreg s26;
	s4 =	sor.u32 s6, s4  }
0xe: {  	s7 =	sshrl.u32 s1, $0x1;
	s6 =	sadd.s32 s4, s5;
	s4 =	smul.u32 $0x300, s4  }
0xf: {  	s26 =	simm.s32 $0x9880;
	s1 =	ssub.s32 s1, s7;
	s6 =	sadd.s32 $0x3E00, s6  }
0x10: {  	v2 =	vlaneseq.u32;
	s7 =	simm.s32 $0x2;
	[dreg:$0x3] =	wrdreg s6;
	s4 =	sadd.s32 s3, s4  }
0x11: {  	vm0 =	vmmov $0xffff;
	v1 =	vshrl.u32 v2, $0x3;
	s3 =	sadd.s32 $0x4200, s5;
	s6 =	smax.u32 s1, $0x1;
	s1 =	simm.s32 $0x1  }
0x12: {  	v0 =	vand.u32 $0x7, v2;
	v2 =	vor.u32 $0x8, v2;
	v1 =	vmul.u32 $0x8, v1;
	[dreg:$0x4] =	wrdreg s4;
	s4 =	sadd.s32 $0x4300, s5;
	s5 =	sadd.s32 $0x4400, s5  }
.LBB2_1:
0x13: {  	s0 =	rddreg [dreg:$0x3]  }
0x14: {  	[tilespmem:s2], [sflag:$0x2] =	stream.linear.gather [hbm4b:s0+s2], $0x40, $0x38;
	[tilespmem:$0xC080] =	vst v63  }
0x15: {  	_ =	swait.ge [sflag:s7], $0x40  }
0x16: {  	[sflag:s7] =	ssyncset.done $0x0  }
0x17: {  	s0 =	rddreg [dreg:$0x4];
	[sflag:s7] =	ssyncadd.s32 $0xFFFFFFC0  }
0x18: {  	[tilespmem:s8], [sflag:$0x2] =	stream.linear.gather [hbm4b:s0+s2], $0xC000, $0x38;
	[tilespmem:$0xC080] =	vst v63  }
0x19: {  	_ =	swait.ge [sflag:s7], $0xC000  }
0x1a: {  	[sflag:s7] =	ssyncset.done $0x0  }
0x1b: {  	[sflag:s7] =	ssyncadd.s32 $0xFFFF4000  }
0x1c: {  	v3 =	vld [tilespmem:$0x0];
	_ =	sdelay $0x4  }
0x1d: {  	v4 =	vshrl.u32 v3, $0x3  }
0x1e: {  	v4 =	vmul.u32 $0x30, v4  }
0x1f: {  	v3 =	vand.u32 $0x7, v3  }
0x20: {  	v3 =	vor.u32 v3, v4  }
0x21: {  	v4 =	vperm.xlane v3, v0;
	_ =	sdelay $0x1  }
0x22: {  	v4 =	vadd.s32 v1, v4;
	_ =	sdelay $0x3  }
0x23: {  	v3 =	vperm.xlane v3, v2  }
0x24: {  	[hbm4b:s3+s2] =	stream.indirect_vreg.scatter [tilespmem:s8], [sflag:$0x1], $0x80, v4, vm0, $0xb8;
	[tilespmem:$0xC080] =	vst v63  }
0x25: {  	s0 =	rddreg [dreg:$0x5];
	v3 =	vadd.s32 v1, v3  }
0x26: {  	[hbm4b:s4+s2] =	stream.indirect_vreg.scatter [tilespmem:s0], [sflag:$0x1], $0x80, v4, vm0, $0xb8;
	[tilespmem:$0xC080] =	vst v63  }
0x27: {  	_ = 	snop  }
0x28: {  	[hbm4b:s5+s2] =	stream.indirect_vreg.scatter [tilespmem:s9], [sflag:$0x1], $0x80, v4, vm0, $0xb8;
	[tilespmem:$0xC080] =	vst v63  }
0x29: {  	_ = 	snop  }
0x2a: {  	[hbm4b:s3+s2] =	stream.indirect_vreg.scatter [tilespmem:s10], [sflag:$0x1], $0x80, v3, vm0, $0xb8;
	[tilespmem:$0xC080] =	vst v63  }
0x2b: {  	_ = 	snop  }
0x2c: {  	[hbm4b:s4+s2] =	stream.indirect_vreg.scatter [tilespmem:s11], [sflag:$0x1], $0x80, v3, vm0, $0xb8;
	[tilespmem:$0xC080] =	vst v63  }
0x2d: {  	_ = 	snop  }
0x2e: {  	[hbm4b:s5+s2] =	stream.indirect_vreg.scatter [tilespmem:s12], [sflag:$0x1], $0x80, v3, vm0, $0xb8;
	[tilespmem:$0xC080] =	vst v63  }
0x2f: {  	v3 =	vld [tilespmem:$0x10];
	_ =	sdelay $0x4  }
0x30: {  	v61 =	vshrl.u32 v3, $0x3  }
0x31: {  	v4 =	vmul.u32 $0x30, v61  }
0x32: {  	v3 =	vand.u32 $0x7, v3  }
0x33: {  	v3 =	vor.u32 v3, v4  }
0x34: {  	v4 =	vperm.xlane v3, v0;
	_ =	sdelay $0x1  }
0x35: {  	v4 =	vadd.s32 v1, v4;
	_ =	sdelay $0x3  }
0x36: {  	v3 =	vperm.xlane v3, v2  }
0x37: {  	[hbm4b:s3+s2] =	stream.indirect_vreg.scatter [tilespmem:s13], [sflag:$0x1], $0x80, v4, vm0, $0xb8;
	[tilespmem:$0xC080] =	vst v63  }
0x38: {  	v3 =	vadd.s32 v1, v3  }
0x39: {  	[hbm4b:s4+s2] =	stream.indirect_vreg.scatter [tilespmem:s14], [sflag:$0x1], $0x80, v4, vm0, $0xb8;
	[tilespmem:$0xC080] =	vst v63  }
0x3a: {  	_ = 	snop  }
0x3b: {  	[hbm4b:s5+s2] =	stream.indirect_vreg.scatter [tilespmem:s15], [sflag:$0x1], $0x80, v4, vm0, $0xb8;
	[tilespmem:$0xC080] =	vst v63  }
0x3c: {  	_ = 	snop  }
0x3d: {  	[hbm4b:s3+s2] =	stream.indirect_vreg.scatter [tilespmem:s16], [sflag:$0x1], $0x80, v3, vm0, $0xb8;
	[tilespmem:$0xC080] =	vst v63  }
0x3e: {  	_ = 	snop  }
0x3f: {  	[hbm4b:s4+s2] =	stream.indirect_vreg.scatter [tilespmem:s17], [sflag:$0x1], $0x80, v3, vm0, $0xb8;
	[tilespmem:$0xC080] =	vst v63  }
0x40: {  	_ = 	snop  }
0x41: {  	[hbm4b:s5+s2] =	stream.indirect_vreg.scatter [tilespmem:s18], [sflag:$0x1], $0x80, v3, vm0, $0xb8;
	[tilespmem:$0xC080] =	vst v63  }
0x42: {  	v3 =	vld [tilespmem:$0x20];
	_ =	sdelay $0x4  }
0x43: {  	v62 =	vshrl.u32 v3, $0x3  }
0x44: {  	v4 =	vmul.u32 $0x30, v62  }
0x45: {  	v3 =	vand.u32 $0x7, v3  }
0x46: {  	v3 =	vor.u32 v3, v4  }
0x47: {  	v4 =	vperm.xlane v3, v0;
	_ =	sdelay $0x1  }
0x48: {  	v4 =	vadd.s32 v1, v4;
	_ =	sdelay $0x3  }
0x49: {  	v3 =	vperm.xlane v3, v2  }
0x4a: {  	[hbm4b:s3+s2] =	stream.indirect_vreg.scatter [tilespmem:s19], [sflag:$0x1], $0x80, v4, vm0, $0xb8;
	[tilespmem:$0xC080] =	vst v63  }
0x4b: {  	v3 =	vadd.s32 v1, v3  }
0x4c: {  	[hbm4b:s4+s2] =	stream.indirect_vreg.scatter [tilespmem:s20], [sflag:$0x1], $0x80, v4, vm0, $0xb8;
	[tilespmem:$0xC080] =	vst v63  }
0x4d: {  	_ = 	snop  }
0x4e: {  	[hbm4b:s5+s2] =	stream.indirect_vreg.scatter [tilespmem:s21], [sflag:$0x1], $0x80, v4, vm0, $0xb8;
	[tilespmem:$0xC080] =	vst v63  }
0x4f: {  	_ = 	snop  }
0x50: {  	[hbm4b:s3+s2] =	stream.indirect_vreg.scatter [tilespmem:s22], [sflag:$0x1], $0x80, v3, vm0, $0xb8;
	[tilespmem:$0xC080] =	vst v63  }
0x51: {  	_ = 	snop  }
0x52: {  	[hbm4b:s4+s2] =	stream.indirect_vreg.scatter [tilespmem:s23], [sflag:$0x1], $0x80, v3, vm0, $0xb8;
	[tilespmem:$0xC080] =	vst v63  }
0x53: {  	_ = 	snop  }
0x54: {  	[hbm4b:s5+s2] =	stream.indirect_vreg.scatter [tilespmem:s24], [sflag:$0x1], $0x80, v3, vm0, $0xb8;
	[tilespmem:$0xC080] =	vst v63  }
0x55: {  	v3 =	vld [tilespmem:$0x30];
	_ =	sdelay $0x4  }
0x56: {  	v63 =	vshrl.u32 v3, $0x3  }
0x57: {  	v4 =	vmul.u32 $0x30, v63  }
0x58: {  	v3 =	vand.u32 $0x7, v3  }
0x59: {  	v3 =	vor.u32 v3, v4  }
0x5a: {  	v4 =	vperm.xlane v3, v0;
	_ =	sdelay $0x1  }
0x5b: {  	v4 =	vadd.s32 v1, v4;
	_ =	sdelay $0x3  }
0x5c: {  	v3 =	vperm.xlane v3, v2  }
0x5d: {  	[hbm4b:s3+s2] =	stream.indirect_vreg.scatter [tilespmem:s25], [sflag:$0x1], $0x80, v4, vm0, $0xb8;
	[tilespmem:$0xC080] =	vst v63  }
0x5e: {  	v3 =	vadd.s32 v1, v3  }
0x5f: {  	[hbm4b:s4+s2] =	stream.indirect_vreg.scatter [tilespmem:s26], [sflag:$0x1], $0x80, v4, vm0, $0xb8;
	[tilespmem:$0xC080] =	vst v63  }
0x60: {  	_ = 	snop  }
0x61: {  	[hbm4b:s5+s2] =	stream.indirect_vreg.scatter [tilespmem:s28], [sflag:$0x1], $0x80, v4, vm0, $0xb8;
	[tilespmem:$0xC080] =	vst v63  }
0x62: {  	_ = 	snop  }
0x63: {  	[hbm4b:s3+s2] =	stream.indirect_vreg.scatter [tilespmem:s29], [sflag:$0x1], $0x80, v3, vm0, $0xb8;
	[tilespmem:$0xC080] =	vst v63  }
0x64: {  	p0 =	sne.s32 s6, $0x1  }
0x65: {  	[hbm4b:s4+s2] =	stream.indirect_vreg.scatter [tilespmem:s30], [sflag:$0x1], $0x80, v3, vm0, $0xb8;
	[tilespmem:$0xC080] =	vst v63  }
.Ltmp0:
0x66: {  	_ = 	snop;
	(pc) =	sbr.rel @p0 .LBB2_1-.Ltmp0, $4  }
0x67: {  	[hbm4b:s5+s2] =	stream.indirect_vreg.scatter [tilespmem:s31], [sflag:$0x1], $0x80, v3, vm0, $0xb8;
	[tilespmem:$0xC080] =	vst v63  }
0x68: {  	_ =	swait.ge [sflag:s1], $0xC000  }
0x69: {  	[sflag:s1] =	ssyncset.done $0x0  }
0x6a: {  	s6 =	sadd.s32 $0xFFFFFFFF, s6;
	[sflag:s1] =	ssyncadd.s32 $0xFFFF4000  }
0x6b: {  	_ =	sfence.sel $0x180000  }
0x6c: {  	[bflag:$0x0] =	sbarrier.arrive $0xFFFF  }
0x6d: {  	_ =	strace $0x90000047  }
0x6e: {  	s0 =	stileid.u32;
	[bflag:$0x2] =	sbarrier.arrive $0xFFFF  }
0x6f: {  	p0 =	sne.s32 s0, $0x0;
	s0 =	rddreg [dreg:$0x2]  }
0x70: {  	s0 =	sadd.s32 @!p0 $0x100000, s0  }
0x71: {  	[sflag:s0] =	ssyncadd.tile.s32 @!p0 $0x1;
	_ =	shalt  }
.Lfunc_end2:
_tile_overlayer_lowered:
.L_overlay_start_2:
0x72: {  	(tag) =	ssettag $0x2  }
0x73: {  	s0 =	rddreg [dreg:$0x0];
	s2 =	stileid.u32  }
0x74: {  	s1 =	rddreg [dreg:$0x1];
	p0 =	sne.s32 s2, $0x0  }
0x75: {  	s3 =	rddreg [dreg:$0x2];
	[bflag:$0x3] =	sbarrier.arrive $0xFFFF;
	s2 =	simm.s32 @!p0 $0x1C02  }
0x76: {  	[timem:s3], [sflag:s2] =	dma.local @!p0 [hbm:s0], s1  }
0x77: {  	s0 =	simm.s32 @!p0 $0x2  }
0x78: {  	_ =	swait.ge @!p0 [sflag:s0], s1  }
0x79: {  	s1 =	ssub.s32 @!p0 $0x0, s1;
	[sflag:s0] =	ssyncset.done @!p0 $0x0  }
0x7a: {  	[sflag:s0] =	ssyncadd.s32 @!p0 s1  }
0x7b: {  	[bflag:$0x3] =	sbarrier.arrive $0xFFFF  }
0x7c: {  	_ =	shalt  }

// kernel: kernel.17.cloned.1.call-start
scs
__scs_entry_jumppad:
0x0: {  	(pc) =	sbr.rel $0x88, $3  }
0x1: {  	(tag) =	ssettag $0x0;
	lr =	simm.s32 $0x1  }
0x2: {  	[smem:$0x3F91] =	sst lr;
	_ =	strace $0xD0000000  }
0x3: {  	_ = 	snop  }
0x4: {  	_ = 	snop  }
0x5: {  	_ = 	snop  }
0x6: {  	_ = 	snop  }
0x7: {  	_ = 	snop  }
__scs_overlays_trampoline_lowered:
0x8: {  	[smem:$0x3FA0] =	sst s0  }
0x9: {  	[smem:$0x3FA1] =	sst s1  }
0xa: {  	[smem:$0x3FA2] =	sst s2  }
0xb: {  	[smem:$0x3FA3] =	sst s3  }
0xc: {  	[smem:$0x3FA4] =	sst s4  }
0xd: {  	[smem:$0x3FA5] =	sst s5  }
0xe: {  	[smem:$0x3FA6] =	sst s6  }
0xf: {  	[smem:$0x3FA7] =	sst s7  }
0x10: {  	[smem:$0x3FA8] =	sst s8  }
0x11: {  	[smem:$0x3FA9] =	sst s9;
	s0 =	simm.s32 @!p0 $0x0  }
0x12: {  	s1 =	sld [smem:$0x3F8F];
	s0 =	simm.s32 @p0 $0x1  }
0x13: {  	[smem:$0x3FAA] =	sst s0;
	s0 =	simm.s32 @!p1 $0x0  }
0x14: {  	s2 =	sld [smem:$0x3F8E];
	s0 =	simm.s32 @p1 $0x1  }
0x15: {  	[smem:$0x3FAB] =	sst s0;
	s0 =	simm.s32 @!p2 $0x0  }
0x16: {  	s3 =	sld [smem:$0x3FDB];
	s0 =	simm.s32 @p2 $0x1  }
0x17: {  	s4 =	simm.s32 $0x1BF5;
	[smem:$0x3FAD] =	sst s0  }
0x18: {  	s0 =	sld [smem:$0x3F90];
	_ =	swait.ge [sflag:s4], $0x0  }
0x19: {  	s7 =	sld [smem:$0x3F91]  }
0x1a: {  	s8 =	sadd.s32 $0xFFFFE003, lr  }
0x1b: {  	s9 =	sadd.s32 $0xFFFFFEF7, lr;
	s5 =	simm.s32 $0xFFFFFFFF;
	p2 =	slt.u32 s8, $0xFFFFF086  }
0x1c: {  	p1 =	slt.u32 s9, $0xF7A;
	s5 =	simm.s32 @!p2 $0x0  }
0x1d: {  	s5 =	simm.s32 @p1 $0x1;
	p0 =	seq.s32 s7, s2  }
0x1e: {  	s7 =	smul.u32 @!p0 $0xF7A, s2;
	p2 =	seq.s32 @!p0 s5, $0x0  }
0x1f: {  	s9 =	smul.u32 $0xF7A, s1;
	s8 =	simm.s32 @!p0 $0x1BF5;
	p2 =	por !p2, p0  }
0x20: {  	[sflag:s8] =	ssyncset.s32 @!p0 $0xFFFFF086;
	s6 =	sadd.s32 @!p0 s3, s7;
	s7 =	simm.s32 @!p0 $0x108  }
0x21: {  	s3 =	sadd.s32 s3, s9;
	s6 =	sadd.s32 @!p0 $0x88, s6;
	s7 =	simm.s32 @p2 $0x1082  }
0x22: {  	[simem:s7], [sflag:s8] =	dma.local @!p0 [hbm:s6], $0xF7A  }
0x23: {  	s9 =	sor.u32 $0xD0000000, s2;
	s6 =	simm.s32 $0x108;
	_ =	swait.ge @!p0 [sflag:s8], $0x0  }
0x24: {  	s3 =	sadd.s32 $0x88, s3;
	s6 =	simm.s32 @!p1 $0x1082;
	[sflag:s4] =	ssyncset.s32 $0xFFFFF086  }
0x25: {  	[simem:s6], [sflag:s4] =	dma.local [hbm:s3], $0xF7A  }
0x26: {  	[smem:$0x3F91] =	sst s1;
	(tag) =	ssettag s2;
	_ =	strace s9  }
0x27: {  	s1 =	sld [smem:$0x3FA1]  }
0x28: {  	s2 =	sld [smem:$0x3FA2]  }
0x29: {  	s4 =	sld [smem:$0x3FA4]  }
0x2a: {  	p0 =	seq.s32 s5, $0x0;
	s5 =	sld [smem:$0x3FA5]  }
0x2b: {  	s6 =	sld [smem:$0x3FA6]  }
0x2c: {  	s7 =	sld [smem:$0x3FA7]  }
0x2d: {  	s3 =	simm.s32 $0x108;
	s8 =	sld [smem:$0x3FA8]  }
0x2e: {  	s3 =	simm.s32 @!p0 $0x1082;
	s9 =	sld [smem:$0x3FA9]  }
0x2f: {  	lr =	sadd.s32 s0, s3;
	s0 =	sld [smem:$0x3FA0]  }
0x30: {  	s3 =	sld [smem:$0x3FA3]  }
0x31: {  	[smem:$0x3FAC] =	sst s10  }
0x32: {  	s10 =	sld [smem:$0x3FAA];
	_ =	sdelay $0x3  }
0x33: {  	p0 =	seq.s32 s10, $0x1;
	s10 =	sld [smem:$0x3FAC];
	_ =	sdelay $0x3  }
0x34: {  	[smem:$0x3FAC] =	sst s10  }
0x35: {  	s10 =	sld [smem:$0x3FAB];
	_ =	sdelay $0x3  }
0x36: {  	p1 =	seq.s32 s10, $0x1;
	s10 =	sld [smem:$0x3FAC];
	_ =	sdelay $0x3  }
0x37: {  	[smem:$0x3FAC] =	sst s10  }
0x38: {  	s10 =	sld [smem:$0x3FAD]  }
0x39: {  	_ = 	snop;
	(pc) =	sbr.ind lr, $3  }
0x3a: {  	_ = 	snop  }
0x3b: {  	_ = 	snop  }
0x3c: {  	p2 =	seq.s32 s10, $0x1;
	s10 =	sld [smem:$0x3FAC]  }
0x3d: {  	_ =	shalt  }
0x3e: {  	_ =	shalt  }
0x3f: {  	_ =	shalt  }
0x40: {  	_ =	shalt  }
0x41: {  	_ =	shalt  }
0x42: {  	_ =	shalt  }
0x43: {  	_ =	shalt  }
0x44: {  	_ =	shalt  }
0x45: {  	_ =	shalt  }
0x46: {  	_ =	shalt  }
0x47: {  	_ =	shalt  }
0x48: {  	_ =	shalt  }
0x49: {  	_ =	shalt  }
0x4a: {  	_ =	shalt  }
0x4b: {  	_ =	shalt  }
0x4c: {  	_ =	shalt  }
0x4d: {  	_ =	shalt  }
0x4e: {  	_ =	shalt  }
0x4f: {  	_ =	shalt  }
0x50: {  	_ =	shalt  }
0x51: {  	_ =	shalt  }
0x52: {  	_ =	shalt  }
0x53: {  	_ =	shalt  }
0x54: {  	_ =	shalt  }
0x55: {  	_ =	shalt  }
0x56: {  	_ =	shalt  }
0x57: {  	_ =	shalt  }
0x58: {  	_ =	shalt  }
0x59: {  	_ =	shalt  }
0x5a: {  	_ =	shalt  }
0x5b: {  	_ =	shalt  }
0x5c: {  	_ =	shalt  }
0x5d: {  	_ =	shalt  }
0x5e: {  	_ =	shalt  }
0x5f: {  	_ =	shalt  }
0x60: {  	_ =	shalt  }
0x61: {  	_ =	shalt  }
0x62: {  	_ =	shalt  }
0x63: {  	_ =	shalt  }
0x64: {  	_ =	shalt  }
0x65: {  	_ =	shalt  }
0x66: {  	_ =	shalt  }
0x67: {  	_ =	shalt  }
0x68: {  	_ =	shalt  }
0x69: {  	_ =	shalt  }
0x6a: {  	_ =	shalt  }
0x6b: {  	_ =	shalt  }
0x6c: {  	_ =	shalt  }
0x6d: {  	_ =	shalt  }
0x6e: {  	_ =	shalt  }
0x6f: {  	_ =	shalt  }
0x70: {  	_ =	shalt  }
0x71: {  	_ =	shalt  }
0x72: {  	_ =	shalt  }
0x73: {  	_ =	shalt  }
0x74: {  	_ =	shalt  }
0x75: {  	_ =	shalt  }
0x76: {  	_ =	shalt  }
0x77: {  	_ =	shalt  }
0x78: {  	_ =	shalt  }
0x79: {  	_ =	shalt  }
0x7a: {  	_ =	shalt  }
0x7b: {  	_ =	shalt  }
0x7c: {  	_ =	shalt  }
0x7d: {  	_ =	shalt  }
0x7e: {  	_ =	shalt  }
0x7f: {  	_ =	shalt  }
0x80: {  	_ =	shalt  }
0x81: {  	_ =	shalt  }
0x82: {  	_ =	shalt  }
0x83: {  	_ =	shalt  }
0x84: {  	_ =	shalt  }
0x85: {  	_ =	shalt  }
0x86: {  	_ =	shalt  }
0x87: {  	_ =	shalt  }
.Lfunc_end0:
.L_simem_size_0:
called_computation.2_lowered:
.L_overlay_start_0:
0x88: {  	s2 =	sld [smem:$0x3FD9]  }
0x89: {  	s3 =	sld [smem:$0x3FFE];
	_ =	sdelay $0x1  }
0x8a: {  	s1 =	srdreg.scid  }
0x8b: {  	s0 =	sand.u32 $0x1, s1  }
0x8c: {  	s17 =	sshll.u32 s0, $0xA;
	s2 =	sadd.s32 s3, s2  }
0x8d: {  	s2 =	sadd.s32 s2, s17  }
0x8e: {  	[smem:$0x3FB8] =	sst s2  }
0x8f: {  	_ = 	snop  }
0x90: {  	s18 =	sld [smem:$0x3FD0];
	(tm) =	ssettm $0x1  }
0x91: {  	s19 =	sld [smem:$0x3FFB];
	_ =	sdelay $0x3  }
0x92: {  	_ =	strace s19  }
0x93: {  	s2 =	sld [smem:$0x3FFC];
	_ =	sdelay $0x3  }
0x94: {  	_ =	strace s2  }
0x95: {  	s2 =	sld [smem:$0x3FFD];
	_ =	sdelay $0x3  }
0x96: {  	_ =	strace s2  }
0x97: {  	_ =	strace $0x8FFFFFFF  }
0x98: {  	s20 =	sld [smem:$0x3FDB];
	_ =	sdelay $0x1  }
0x99: {  	s4 =	simm.s32 $_scs_section_size  }
0x9a: {  	s5 =	simm.s32 $_size__tile_overlayer_lowered;
	s6 =	simm.s32 $_tile_overlayer_lowered  }
0x9b: {  	s7 =	simm.s32 $0x1BFF;
	s21 =	sshll.u32 s6, $0x1;
	s4 =	sadd.s32 s4, s20  }
0x9c: {  	s22 =	simm.s32 $0x0;
	s5 =	sshll.u32 s5, $0x1;
	s6 =	sadd.s32 s21, s4  }
0x9d: {  	[timem:s22], [sflag:s7] =	dma.local [hbm:s6], s5  }
0x9e: {  	_ =	swait.ge [sflag:s7], s5  }
0x9f: {  	s5 =	ssub.s32 $0x0, s5;
	[sflag:s7] =	ssyncset.done $0x0  }
0xa0: {  	[sflag:s7] =	ssyncadd.s32 s5;
	_ =	sdelay $0x1  }
0xa1: {  	s23 =	simm.s32 $0x1B8B  }
0xa2: {  	_ =	swait.ge [sflag:s23], $0x1  }
0xa3: {  	[sflag:s23] =	ssyncset.done $0x0  }
0xa4: {  	[sflag:s23] =	ssyncadd.s32 $0xFFFFFFFF  }
0xa5: {  	s5 =	sld [smem:$0x0]  }
0xa6: {  	s6 =	sand.u32 $0xFFFFFFFE, s1  }
0xa7: {  	p0 =	sne.s32 s1, s6  }
0xa8: {  	s6 =	sshll.u32 @p0 s6, $0xE  }
0xa9: {  	s6 =	sadd.s32 @p0 $0x11B8D, s6;
	s7 =	sshll.u32 @p0 s5, $0x11  }
0xaa: {  	s6 =	sor.u32 @p0 s7, s6  }
0xab: {  	[sflag:s6] =	ssyncadd.remote.s32 @p0 $0x1;
	_ =	sdelay $0x1  }
0xac: {  	s6 =	simm.s32 @p0 $0x1B8D  }
0xad: {  	_ =	swait.eq @p0 [sflag:s6], $0x1  }
0xae: {  	[sflag:s6] =	ssyncadd.s32 @p0 $0xFFFFFFFF  }
0xaf: {  	s7 =	sshll.u32 @!p0 s1, $0xE  }
0xb0: {  	s7 =	sor.u32 @!p0 $0x4000, s7;
	s6 =	simm.s32 @!p0 $0x1B8D  }
0xb1: {  	s5 =	sshll.u32 @!p0 s5, $0x11;
	s7 =	sadd.s32 @!p0 $0x11B8D, s7;
	_ =	swait.eq @!p0 [sflag:s6], $0x1  }
0xb2: {  	s5 =	sor.u32 @!p0 s5, s7;
	[sflag:s6] =	ssyncadd.s32 @!p0 $0xFFFFFFFF  }
0xb3: {  	s25 =	simm.s32 $0x1B8E;
	s24 =	sld [smem:$0x3FFE];
	[sflag:s5] =	ssyncadd.remote.s32 @!p0 $0x1  }
0xb4: {  	s26 =	simm.s32 $execute0_lowered;
	[smem:$0x3FD2] =	sst s25  }
0xb5: {  	s6 =	sshll.u32 s26, $0x1;
	_ =	strace $0x8000004F;
	[dreg:$0x1] =	wrdreg $0xFFFFFFFF  }
0xb6: {  	s28 =	simm.s32 $_size_execute0_lowered;
	s4 =	sadd.s32 s4, s6;
	[dreg:$0x0] =	wrdreg $0x0  }
0xb7: {  	s6 =	sshll.u32 s28, $0x1;
	[dreg:$0x2] =	wrdreg s4  }
0xb8: {  	[dreg:$0x3] =	wrdreg s6  }
0xb9: {  	[dreg:$0x4] =	wrdreg $0xC0  }
0xba: {  	_ =	task [dreg:s22], $0x5FFFF  }
0xbb: {  	[dreg:$0x1] =	wrdreg $0xFFFFFFFF  }
0xbc: {  	[dreg:$0x0] =	wrdreg $0x60  }
0xbd: {  	[dreg:$0x2] =	wrdreg s24  }
0xbe: {  	[dreg:$0x3] =	wrdreg s18  }
0xbf: {  	[dreg:$0x4] =	wrdreg $0x9  }
0xc0: {  	_ =	task.clear_ibuf [dreg:s22], $0x5FFFF;
	_ =	strace $0x9000004F  }
0xc1: {  	s29 =	simm.s32 $0x9;
	_ =	strace $0x80000051  }
0xc2: {  	_ =	swait.ge [sflag:s29], $0x1  }
0xc3: {  	[sflag:s29] =	ssyncadd.s32 $0xFFFFFFFF  }
0xc4: {  	_ =	strace $0x90000051  }
0xc5: {  	_ =	sfence  }
0xc6: {  	s30 =	sld [smem:$0x0];
	_ =	sdelay $0x2  }
0xc7: {  	s31 =	sshll.u32 s1, $0xD;
	s1 =	sshrl.u32 s1, $0x2  }
0xc8: {  	s4 =	sand.u32 $0x4000, s31;
	s1 =	sadd.s32 s1, s30  }
0xc9: {  	s0 =	sor.u32 s4, s0;
	s1 =	sshll.u32 s1, $0x11  }
0xca: {  	s0 =	sor.u32 s1, s0  }
0xcb: {  	s0 =	sadd.s32 $0x8F2B, s0  }
0xcc: {  	[sflag:s0] =	ssyncadd.remote.s32 $0x1  }
0xcd: {  	_ =	sfence.sel $0xFFFF  }
0xce: {  	[dreg:$0x0] =	wrdreg $0xFFFFFFFF;
	(pc) =	sbr.abs _section_cstart, $3  }
0xcf: {  	[dreg:$0x1] =	wrdreg $0xFFFFFFFF  }
0xd0: {  	_ =	task.clear_ibuf [dreg:s22], $0x2FFFF;
	_ =	strace $0x9FFFFFFF  }
0xd1: {  	(tm) =	ssettm $0x7FFFFFFF  }
tec
execute0_lowered:
.L_overlay_start_1:
0x0: {  	(tag) =	ssettag $0x1  }
0x1: {  	s0 =	rddreg [dreg:$0x0]  }
0x2: {  	s5 =	rddreg [dreg:$0x1];
	s3 =	srdreg.scid  }
0x3: {  	s2 =	simm.s32 $0x0;
	s1 =	stileid.u32;
	s26 =	simm.s32 $0x880  }
0x4: {  	s10 =	simm.s32 $0x1880;
	s11 =	simm.s32 $0x2080;
	s12 =	simm.s32 $0x2880  }
0x5: {  	s13 =	simm.s32 $0x3080;
	s14 =	simm.s32 $0x3880;
	s15 =	simm.s32 $0x4080  }
0x6: {  	s16 =	simm.s32 $0x4880;
	s17 =	simm.s32 $0x5080;
	s18 =	simm.s32 $0x5880  }
0x7: {  	s19 =	simm.s32 $0x6080;
	s20 =	simm.s32 $0x6880;
	s21 =	simm.s32 $0x7080  }
0x8: {  	s22 =	simm.s32 $0x7880;
	s28 =	simm.s32 $0xA080;
	s29 =	simm.s32 $0xA880  }
0x9: {  	s30 =	simm.s32 $0xB080;
	s31 =	simm.s32 $0xB880;
	s3 =	sand.u32 $0x1, s3  }
0xa: {  	[smem:$0x7FF] =	sst s2;
	s4 =	sshll.u32 s1, $0x4;
	s6 =	sshll.u32 s3, $0x3  }
0xb: {  	_ =	strace $0x80000050;
	s23 =	ssub.s32 $0x2, s3;
	s3 =	sadd.s32 $0x4C200, s0  }
0xc: {  	[dreg:$0x5] =	wrdreg s26;
	s26 =	simm.s32 $0x9880;
	s4 =	sor.u32 s6, s4  }
0xd: {  	s8 =	sshrl.u32 s23, $0x1;
	s7 =	sadd.s32 s4, s0;
	s9 =	smul.u32 $0x300, s4  }
0xe: {  	s6 =	ssub.s32 s23, s8;
	s4 =	sadd.s32 $0x4C300, s0;
	s8 =	simm.s32 $0x80  }
0xf: {  	s23 =	simm.s32 $0x8080;
	s24 =	sadd.s32 $0x4000, s7;
	s6 =	smax.u32 s6, $0x1  }
0x10: {  	v2 =	vlaneseq.u32;
	s7 =	simm.s32 $0x2;
	[dreg:$0x3] =	wrdreg s24;
	s25 =	sadd.s32 s5, s9  }
0x11: {  	vm0 =	vmmov $0xffff;
	v1 =	vshrl.u32 v2, $0x3;
	s5 =	sadd.s32 $0x4C400, s0;
	s9 =	simm.s32 $0x1080;
	s24 =	simm.s32 $0x8880  }
0x12: {  	v0 =	vand.u32 $0x7, v2;
	v2 =	vor.u32 $0x8, v2;
	v1 =	vmul.u32 $0x8, v1;
	s0 =	simm.s32 $0x1;
	[dreg:$0x4] =	wrdreg s25;
	s25 =	simm.s32 $0x9080  }
.LBB2_1:
0x13: {  	s1 =	rddreg [dreg:$0x3]  }
0x14: {  	[tilespmem:s2], [sflag:$0x2] =	stream.linear.gather [hbm4b:s1+s2], $0x40, $0x38;
	[tilespmem:$0xC080] =	vst v63  }
0x15: {  	_ =	swait.ge [sflag:s7], $0x40  }
0x16: {  	[sflag:s7] =	ssyncset.done $0x0  }
0x17: {  	[sflag:s7] =	ssyncadd.s32 $0xFFFFFFC0  }
0x18: {  	v3 =	vld [tilespmem:$0x0];
	_ =	sdelay $0x4  }
0x19: {  	v4 =	vshrl.u32 v3, $0x3  }
0x1a: {  	v4 =	vmul.u32 $0x30, v4  }
0x1b: {  	v3 =	vand.u32 $0x7, v3  }
0x1c: {  	v3 =	vor.u32 v3, v4  }
0x1d: {  	v4 =	vperm.xlane v3, v0;
	_ =	sdelay $0x1  }
0x1e: {  	v4 =	vadd.s32 v1, v4;
	_ =	sdelay $0x3  }
0x1f: {  	v3 =	vperm.xlane v3, v2  }
0x20: {  	[tilespmem:s8], [sflag:$0x1] =	stream.indirect_vreg.gather [hbm4b:s3+s2], $0x80, v4, vm0, $0xb8;
	[tilespmem:$0xC080] =	vst v63  }
0x21: {  	s1 =	rddreg [dreg:$0x5];
	v3 =	vadd.s32 v1, v3  }
0x22: {  	[tilespmem:s1], [sflag:$0x1] =	stream.indirect_vreg.gather [hbm4b:s4+s2], $0x80, v4, vm0, $0xb8;
	[tilespmem:$0xC080] =	vst v63  }
0x23: {  	_ = 	snop  }
0x24: {  	[tilespmem:s9], [sflag:$0x1] =	stream.indirect_vreg.gather [hbm4b:s5+s2], $0x80, v4, vm0, $0xb8;
	[tilespmem:$0xC080] =	vst v63  }
0x25: {  	_ = 	snop  }
0x26: {  	[tilespmem:s10], [sflag:$0x1] =	stream.indirect_vreg.gather [hbm4b:s3+s2], $0x80, v3, vm0, $0xb8;
	[tilespmem:$0xC080] =	vst v63  }
0x27: {  	_ = 	snop  }
0x28: {  	[tilespmem:s11], [sflag:$0x1] =	stream.indirect_vreg.gather [hbm4b:s4+s2], $0x80, v3, vm0, $0xb8;
	[tilespmem:$0xC080] =	vst v63  }
0x29: {  	_ = 	snop  }
0x2a: {  	[tilespmem:s12], [sflag:$0x1] =	stream.indirect_vreg.gather [hbm4b:s5+s2], $0x80, v3, vm0, $0xb8;
	[tilespmem:$0xC080] =	vst v63  }
0x2b: {  	v3 =	vld [tilespmem:$0x10];
	_ =	sdelay $0x4  }
0x2c: {  	v61 =	vshrl.u32 v3, $0x3  }
0x2d: {  	v4 =	vmul.u32 $0x30, v61  }
0x2e: {  	v3 =	vand.u32 $0x7, v3  }
0x2f: {  	v3 =	vor.u32 v3, v4  }
0x30: {  	v4 =	vperm.xlane v3, v0;
	_ =	sdelay $0x1  }
0x31: {  	v4 =	vadd.s32 v1, v4;
	_ =	sdelay $0x3  }
0x32: {  	v3 =	vperm.xlane v3, v2  }
0x33: {  	[tilespmem:s13], [sflag:$0x1] =	stream.indirect_vreg.gather [hbm4b:s3+s2], $0x80, v4, vm0, $0xb8;
	[tilespmem:$0xC080] =	vst v63  }
0x34: {  	v3 =	vadd.s32 v1, v3  }
0x35: {  	[tilespmem:s14], [sflag:$0x1] =	stream.indirect_vreg.gather [hbm4b:s4+s2], $0x80, v4, vm0, $0xb8;
	[tilespmem:$0xC080] =	vst v63  }
0x36: {  	_ = 	snop  }
0x37: {  	[tilespmem:s15], [sflag:$0x1] =	stream.indirect_vreg.gather [hbm4b:s5+s2], $0x80, v4, vm0, $0xb8;
	[tilespmem:$0xC080] =	vst v63  }
0x38: {  	_ = 	snop  }
0x39: {  	[tilespmem:s16], [sflag:$0x1] =	stream.indirect_vreg.gather [hbm4b:s3+s2], $0x80, v3, vm0, $0xb8;
	[tilespmem:$0xC080] =	vst v63  }
0x3a: {  	_ = 	snop  }
0x3b: {  	[tilespmem:s17], [sflag:$0x1] =	stream.indirect_vreg.gather [hbm4b:s4+s2], $0x80, v3, vm0, $0xb8;
	[tilespmem:$0xC080] =	vst v63  }
0x3c: {  	_ = 	snop  }
0x3d: {  	[tilespmem:s18], [sflag:$0x1] =	stream.indirect_vreg.gather [hbm4b:s5+s2], $0x80, v3, vm0, $0xb8;
	[tilespmem:$0xC080] =	vst v63  }
0x3e: {  	v3 =	vld [tilespmem:$0x20];
	_ =	sdelay $0x4  }
0x3f: {  	v62 =	vshrl.u32 v3, $0x3  }
0x40: {  	v4 =	vmul.u32 $0x30, v62  }
0x41: {  	v3 =	vand.u32 $0x7, v3  }
0x42: {  	v3 =	vor.u32 v3, v4  }
0x43: {  	v4 =	vperm.xlane v3, v0;
	_ =	sdelay $0x1  }
0x44: {  	v4 =	vadd.s32 v1, v4;
	_ =	sdelay $0x3  }
0x45: {  	v3 =	vperm.xlane v3, v2  }
0x46: {  	[tilespmem:s19], [sflag:$0x1] =	stream.indirect_vreg.gather [hbm4b:s3+s2], $0x80, v4, vm0, $0xb8;
	[tilespmem:$0xC080] =	vst v63  }
0x47: {  	v3 =	vadd.s32 v1, v3  }
0x48: {  	[tilespmem:s20], [sflag:$0x1] =	stream.indirect_vreg.gather [hbm4b:s4+s2], $0x80, v4, vm0, $0xb8;
	[tilespmem:$0xC080] =	vst v63  }
0x49: {  	_ = 	snop  }
0x4a: {  	[tilespmem:s21], [sflag:$0x1] =	stream.indirect_vreg.gather [hbm4b:s5+s2], $0x80, v4, vm0, $0xb8;
	[tilespmem:$0xC080] =	vst v63  }
0x4b: {  	_ = 	snop  }
0x4c: {  	[tilespmem:s22], [sflag:$0x1] =	stream.indirect_vreg.gather [hbm4b:s3+s2], $0x80, v3, vm0, $0xb8;
	[tilespmem:$0xC080] =	vst v63  }
0x4d: {  	_ = 	snop  }
0x4e: {  	[tilespmem:s23], [sflag:$0x1] =	stream.indirect_vreg.gather [hbm4b:s4+s2], $0x80, v3, vm0, $0xb8;
	[tilespmem:$0xC080] =	vst v63  }
0x4f: {  	_ = 	snop  }
0x50: {  	[tilespmem:s24], [sflag:$0x1] =	stream.indirect_vreg.gather [hbm4b:s5+s2], $0x80, v3, vm0, $0xb8;
	[tilespmem:$0xC080] =	vst v63  }
0x51: {  	v3 =	vld [tilespmem:$0x30];
	_ =	sdelay $0x4  }
0x52: {  	v63 =	vshrl.u32 v3, $0x3  }
0x53: {  	v4 =	vmul.u32 $0x30, v63  }
0x54: {  	v3 =	vand.u32 $0x7, v3  }
0x55: {  	v3 =	vor.u32 v3, v4  }
0x56: {  	v4 =	vperm.xlane v3, v0;
	_ =	sdelay $0x1  }
0x57: {  	v4 =	vadd.s32 v1, v4;
	_ =	sdelay $0x3  }
0x58: {  	v3 =	vperm.xlane v3, v2  }
0x59: {  	[tilespmem:s25], [sflag:$0x1] =	stream.indirect_vreg.gather [hbm4b:s3+s2], $0x80, v4, vm0, $0xb8;
	[tilespmem:$0xC080] =	vst v63  }
0x5a: {  	v3 =	vadd.s32 v1, v3  }
0x5b: {  	[tilespmem:s26], [sflag:$0x1] =	stream.indirect_vreg.gather [hbm4b:s4+s2], $0x80, v4, vm0, $0xb8;
	[tilespmem:$0xC080] =	vst v63  }
0x5c: {  	_ = 	snop  }
0x5d: {  	[tilespmem:s28], [sflag:$0x1] =	stream.indirect_vreg.gather [hbm4b:s5+s2], $0x80, v4, vm0, $0xb8;
	[tilespmem:$0xC080] =	vst v63  }
0x5e: {  	_ = 	snop  }
0x5f: {  	[tilespmem:s29], [sflag:$0x1] =	stream.indirect_vreg.gather [hbm4b:s3+s2], $0x80, v3, vm0, $0xb8;
	[tilespmem:$0xC080] =	vst v63  }
0x60: {  	_ = 	snop  }
0x61: {  	[tilespmem:s30], [sflag:$0x1] =	stream.indirect_vreg.gather [hbm4b:s4+s2], $0x80, v3, vm0, $0xb8;
	[tilespmem:$0xC080] =	vst v63  }
0x62: {  	_ = 	snop  }
0x63: {  	[tilespmem:s31], [sflag:$0x1] =	stream.indirect_vreg.gather [hbm4b:s5+s2], $0x80, v3, vm0, $0xb8;
	[tilespmem:$0xC080] =	vst v63  }
0x64: {  	_ =	swait.ge [sflag:s0], $0xC000  }
0x65: {  	p0 =	sne.s32 s6, $0x1;
	[sflag:s0] =	ssyncset.done $0x0  }
.Ltmp0:
0x66: {  	s1 =	rddreg [dreg:$0x4];
	[sflag:s0] =	ssyncadd.s32 $0xFFFF4000;
	(pc) =	sbr.rel @p0 .LBB2_1-.Ltmp0, $4  }
0x67: {  	[hbm4b:s1+s2] =	stream.linear.scatter [tilespmem:s8], [sflag:$0x2], $0xC000, $0x38;
	[tilespmem:$0xC080] =	vst v63  }
0x68: {  	_ =	swait.ge [sflag:s7], $0xC000  }
0x69: {  	[sflag:s7] =	ssyncset.done $0x0  }
0x6a: {  	s6 =	sadd.s32 $0xFFFFFFFF, s6;
	[sflag:s7] =	ssyncadd.s32 $0xFFFF4000  }
0x6b: {  	_ =	sfence.sel $0x180000  }
0x6c: {  	[bflag:$0x0] =	sbarrier.arrive $0xFFFF  }
0x6d: {  	_ =	strace $0x90000050  }
0x6e: {  	s0 =	stileid.u32;
	[bflag:$0x2] =	sbarrier.arrive $0xFFFF  }
0x6f: {  	p0 =	sne.s32 s0, $0x0;
	s0 =	rddreg [dreg:$0x2]  }
0x70: {  	s0 =	sadd.s32 @!p0 $0x100000, s0  }
0x71: {  	[sflag:s0] =	ssyncadd.tile.s32 @!p0 $0x1;
	_ =	shalt  }
.Lfunc_end2:
_tile_overlayer_lowered:
.L_overlay_start_2:
0x72: {  	(tag) =	ssettag $0x2  }
0x73: {  	s0 =	rddreg [dreg:$0x0];
	s2 =	stileid.u32  }
0x74: {  	s1 =	rddreg [dreg:$0x1];
	p0 =	sne.s32 s2, $0x0  }
0x75: {  	s3 =	rddreg [dreg:$0x2];
	[bflag:$0x3] =	sbarrier.arrive $0xFFFF;
	s2 =	simm.s32 @!p0 $0x1C02  }
0x76: {  	[timem:s3], [sflag:s2] =	dma.local @!p0 [hbm:s0], s1  }
0x77: {  	s0 =	simm.s32 @!p0 $0x2  }
0x78: {  	_ =	swait.ge @!p0 [sflag:s0], s1  }
0x79: {  	s1 =	ssub.s32 @!p0 $0x0, s1;
	[sflag:s0] =	ssyncset.done @!p0 $0x0  }
0x7a: {  	[sflag:s0] =	ssyncadd.s32 @!p0 s1  }
0x7b: {  	[bflag:$0x3] =	sbarrier.arrive $0xFFFF  }
0x7c: {  	_ =	shalt  }

// kernel: kernel.20.cloned.1.call-start
scs
__scs_entry_jumppad:
0x0: {  	(pc) =	sbr.rel $0x88, $3  }
0x1: {  	(tag) =	ssettag $0x0;
	lr =	simm.s32 $0x1  }
0x2: {  	[smem:$0x3F91] =	sst lr;
	_ =	strace $0xD0000000  }
0x3: {  	_ = 	snop  }
0x4: {  	_ = 	snop  }
0x5: {  	_ = 	snop  }
0x6: {  	_ = 	snop  }
0x7: {  	_ = 	snop  }
__scs_overlays_trampoline_lowered:
0x8: {  	[smem:$0x3FA0] =	sst s0  }
0x9: {  	[smem:$0x3FA1] =	sst s1  }
0xa: {  	[smem:$0x3FA2] =	sst s2  }
0xb: {  	[smem:$0x3FA3] =	sst s3  }
0xc: {  	[smem:$0x3FA4] =	sst s4  }
0xd: {  	[smem:$0x3FA5] =	sst s5  }
0xe: {  	[smem:$0x3FA6] =	sst s6  }
0xf: {  	[smem:$0x3FA7] =	sst s7  }
0x10: {  	[smem:$0x3FA8] =	sst s8  }
0x11: {  	[smem:$0x3FA9] =	sst s9;
	s0 =	simm.s32 @!p0 $0x0  }
0x12: {  	s1 =	sld [smem:$0x3F8F];
	s0 =	simm.s32 @p0 $0x1  }
0x13: {  	[smem:$0x3FAA] =	sst s0;
	s0 =	simm.s32 @!p1 $0x0  }
0x14: {  	s2 =	sld [smem:$0x3F8E];
	s0 =	simm.s32 @p1 $0x1  }
0x15: {  	[smem:$0x3FAB] =	sst s0;
	s0 =	simm.s32 @!p2 $0x0  }
0x16: {  	s3 =	sld [smem:$0x3FDB];
	s0 =	simm.s32 @p2 $0x1  }
0x17: {  	s4 =	simm.s32 $0x1BF5;
	[smem:$0x3FAD] =	sst s0  }
0x18: {  	s0 =	sld [smem:$0x3F90];
	_ =	swait.ge [sflag:s4], $0x0  }
0x19: {  	s7 =	sld [smem:$0x3F91]  }
0x1a: {  	s8 =	sadd.s32 $0xFFFFE003, lr  }
0x1b: {  	s9 =	sadd.s32 $0xFFFFFEF7, lr;
	s5 =	simm.s32 $0xFFFFFFFF;
	p2 =	slt.u32 s8, $0xFFFFF086  }
0x1c: {  	p1 =	slt.u32 s9, $0xF7A;
	s5 =	simm.s32 @!p2 $0x0  }
0x1d: {  	s5 =	simm.s32 @p1 $0x1;
	p0 =	seq.s32 s7, s2  }
0x1e: {  	s7 =	smul.u32 @!p0 $0xF7A, s2;
	p2 =	seq.s32 @!p0 s5, $0x0  }
0x1f: {  	s9 =	smul.u32 $0xF7A, s1;
	s8 =	simm.s32 @!p0 $0x1BF5;
	p2 =	por !p2, p0  }
0x20: {  	[sflag:s8] =	ssyncset.s32 @!p0 $0xFFFFF086;
	s6 =	sadd.s32 @!p0 s3, s7;
	s7 =	simm.s32 @!p0 $0x108  }
0x21: {  	s3 =	sadd.s32 s3, s9;
	s6 =	sadd.s32 @!p0 $0x88, s6;
	s7 =	simm.s32 @p2 $0x1082  }
0x22: {  	[simem:s7], [sflag:s8] =	dma.local @!p0 [hbm:s6], $0xF7A  }
0x23: {  	s9 =	sor.u32 $0xD0000000, s2;
	s6 =	simm.s32 $0x108;
	_ =	swait.ge @!p0 [sflag:s8], $0x0  }
0x24: {  	s3 =	sadd.s32 $0x88, s3;
	s6 =	simm.s32 @!p1 $0x1082;
	[sflag:s4] =	ssyncset.s32 $0xFFFFF086  }
0x25: {  	[simem:s6], [sflag:s4] =	dma.local [hbm:s3], $0xF7A  }
0x26: {  	[smem:$0x3F91] =	sst s1;
	(tag) =	ssettag s2;
	_ =	strace s9  }
0x27: {  	s1 =	sld [smem:$0x3FA1]  }
0x28: {  	s2 =	sld [smem:$0x3FA2]  }
0x29: {  	s4 =	sld [smem:$0x3FA4]  }
0x2a: {  	p0 =	seq.s32 s5, $0x0;
	s5 =	sld [smem:$0x3FA5]  }
0x2b: {  	s6 =	sld [smem:$0x3FA6]  }
0x2c: {  	s7 =	sld [smem:$0x3FA7]  }
0x2d: {  	s3 =	simm.s32 $0x108;
	s8 =	sld [smem:$0x3FA8]  }
0x2e: {  	s3 =	simm.s32 @!p0 $0x1082;
	s9 =	sld [smem:$0x3FA9]  }
0x2f: {  	lr =	sadd.s32 s0, s3;
	s0 =	sld [smem:$0x3FA0]  }
0x30: {  	s3 =	sld [smem:$0x3FA3]  }
0x31: {  	[smem:$0x3FAC] =	sst s10  }
0x32: {  	s10 =	sld [smem:$0x3FAA];
	_ =	sdelay $0x3  }
0x33: {  	p0 =	seq.s32 s10, $0x1;
	s10 =	sld [smem:$0x3FAC];
	_ =	sdelay $0x3  }
0x34: {  	[smem:$0x3FAC] =	sst s10  }
0x35: {  	s10 =	sld [smem:$0x3FAB];
	_ =	sdelay $0x3  }
0x36: {  	p1 =	seq.s32 s10, $0x1;
	s10 =	sld [smem:$0x3FAC];
	_ =	sdelay $0x3  }
0x37: {  	[smem:$0x3FAC] =	sst s10  }
0x38: {  	s10 =	sld [smem:$0x3FAD]  }
0x39: {  	_ = 	snop;
	(pc) =	sbr.ind lr, $3  }
0x3a: {  	_ = 	snop  }
0x3b: {  	_ = 	snop  }
0x3c: {  	p2 =	seq.s32 s10, $0x1;
	s10 =	sld [smem:$0x3FAC]  }
0x3d: {  	_ =	shalt  }
0x3e: {  	_ =	shalt  }
0x3f: {  	_ =	shalt  }
0x40: {  	_ =	shalt  }
0x41: {  	_ =	shalt  }
0x42: {  	_ =	shalt  }
0x43: {  	_ =	shalt  }
0x44: {  	_ =	shalt  }
0x45: {  	_ =	shalt  }
0x46: {  	_ =	shalt  }
0x47: {  	_ =	shalt  }
0x48: {  	_ =	shalt  }
0x49: {  	_ =	shalt  }
0x4a: {  	_ =	shalt  }
0x4b: {  	_ =	shalt  }
0x4c: {  	_ =	shalt  }
0x4d: {  	_ =	shalt  }
0x4e: {  	_ =	shalt  }
0x4f: {  	_ =	shalt  }
0x50: {  	_ =	shalt  }
0x51: {  	_ =	shalt  }
0x52: {  	_ =	shalt  }
0x53: {  	_ =	shalt  }
0x54: {  	_ =	shalt  }
0x55: {  	_ =	shalt  }
0x56: {  	_ =	shalt  }
0x57: {  	_ =	shalt  }
0x58: {  	_ =	shalt  }
0x59: {  	_ =	shalt  }
0x5a: {  	_ =	shalt  }
0x5b: {  	_ =	shalt  }
0x5c: {  	_ =	shalt  }
0x5d: {  	_ =	shalt  }
0x5e: {  	_ =	shalt  }
0x5f: {  	_ =	shalt  }
0x60: {  	_ =	shalt  }
0x61: {  	_ =	shalt  }
0x62: {  	_ =	shalt  }
0x63: {  	_ =	shalt  }
0x64: {  	_ =	shalt  }
0x65: {  	_ =	shalt  }
0x66: {  	_ =	shalt  }
0x67: {  	_ =	shalt  }
0x68: {  	_ =	shalt  }
0x69: {  	_ =	shalt  }
0x6a: {  	_ =	shalt  }
0x6b: {  	_ =	shalt  }
0x6c: {  	_ =	shalt  }
0x6d: {  	_ =	shalt  }
0x6e: {  	_ =	shalt  }
0x6f: {  	_ =	shalt  }
0x70: {  	_ =	shalt  }
0x71: {  	_ =	shalt  }
0x72: {  	_ =	shalt  }
0x73: {  	_ =	shalt  }
0x74: {  	_ =	shalt  }
0x75: {  	_ =	shalt  }
0x76: {  	_ =	shalt  }
0x77: {  	_ =	shalt  }
0x78: {  	_ =	shalt  }
0x79: {  	_ =	shalt  }
0x7a: {  	_ =	shalt  }
0x7b: {  	_ =	shalt  }
0x7c: {  	_ =	shalt  }
0x7d: {  	_ =	shalt  }
0x7e: {  	_ =	shalt  }
0x7f: {  	_ =	shalt  }
0x80: {  	_ =	shalt  }
0x81: {  	_ =	shalt  }
0x82: {  	_ =	shalt  }
0x83: {  	_ =	shalt  }
0x84: {  	_ =	shalt  }
0x85: {  	_ =	shalt  }
0x86: {  	_ =	shalt  }
0x87: {  	_ =	shalt  }
.Lfunc_end0:
.L_simem_size_0:
called_computation.3_lowered:
.L_overlay_start_0:
0x88: {  	s2 =	sld [smem:$0x3FD9]  }
0x89: {  	s3 =	sld [smem:$0x3FFE];
	_ =	sdelay $0x1  }
0x8a: {  	s1 =	srdreg.scid  }
0x8b: {  	s0 =	sand.u32 $0x1, s1  }
0x8c: {  	s17 =	sshll.u32 s0, $0xA;
	s2 =	sadd.s32 s3, s2  }
0x8d: {  	s2 =	sadd.s32 s2, s17  }
0x8e: {  	[smem:$0x3FB8] =	sst s2  }
0x8f: {  	_ = 	snop  }
0x90: {  	(tm) =	ssettm $0x1  }
0x91: {  	s18 =	sld [smem:$0x3FFB];
	_ =	sdelay $0x3  }
0x92: {  	_ =	strace s18  }
0x93: {  	s2 =	sld [smem:$0x3FFC];
	_ =	sdelay $0x3  }
0x94: {  	_ =	strace s2  }
0x95: {  	s2 =	sld [smem:$0x3FFD];
	_ =	sdelay $0x3  }
0x96: {  	_ =	strace s2  }
0x97: {  	_ =	strace $0x8FFFFFFF  }
0x98: {  	s19 =	sld [smem:$0x3FDB];
	_ =	sdelay $0x1  }
0x99: {  	s20 =	simm.s32 $_scs_section_size  }
0x9a: {  	s4 =	simm.s32 $_size__tile_overlayer_lowered;
	s5 =	simm.s32 $_tile_overlayer_lowered  }
0x9b: {  	s6 =	simm.s32 $0x1BFF;
	s21 =	sshll.u32 s5, $0x1;
	s3 =	sadd.s32 s20, s19  }
0x9c: {  	s22 =	simm.s32 $0x0;
	s4 =	sshll.u32 s4, $0x1;
	s5 =	sadd.s32 s21, s3  }
0x9d: {  	[timem:s22], [sflag:s6] =	dma.local [hbm:s5], s4  }
0x9e: {  	_ =	swait.ge [sflag:s6], s4  }
0x9f: {  	s4 =	ssub.s32 $0x0, s4;
	[sflag:s6] =	ssyncset.done $0x0  }
0xa0: {  	[sflag:s6] =	ssyncadd.s32 s4;
	_ =	sdelay $0x1  }
0xa1: {  	s23 =	simm.s32 $0x1B8B  }
0xa2: {  	_ =	swait.ge [sflag:s23], $0x1  }
0xa3: {  	[sflag:s23] =	ssyncset.done $0x0  }
0xa4: {  	[sflag:s23] =	ssyncadd.s32 $0xFFFFFFFF  }
0xa5: {  	s4 =	sld [smem:$0x0]  }
0xa6: {  	s5 =	sand.u32 $0xFFFFFFFE, s1  }
0xa7: {  	p0 =	sne.s32 s1, s5  }
0xa8: {  	s5 =	sshll.u32 @p0 s5, $0xE  }
0xa9: {  	s5 =	sadd.s32 @p0 $0x11B8D, s5;
	s6 =	sshll.u32 @p0 s4, $0x11  }
0xaa: {  	s5 =	sor.u32 @p0 s6, s5  }
0xab: {  	[sflag:s5] =	ssyncadd.remote.s32 @p0 $0x1;
	_ =	sdelay $0x1  }
0xac: {  	s5 =	simm.s32 @p0 $0x1B8D  }
0xad: {  	_ =	swait.eq @p0 [sflag:s5], $0x1  }
0xae: {  	[sflag:s5] =	ssyncadd.s32 @p0 $0xFFFFFFFF  }
0xaf: {  	s6 =	sshll.u32 @!p0 s1, $0xE  }
0xb0: {  	s6 =	sor.u32 @!p0 $0x4000, s6;
	s5 =	simm.s32 @!p0 $0x1B8D  }
0xb1: {  	s4 =	sshll.u32 @!p0 s4, $0x11;
	s6 =	sadd.s32 @!p0 $0x11B8D, s6;
	_ =	swait.eq @!p0 [sflag:s5], $0x1  }
0xb2: {  	s4 =	sor.u32 @!p0 s4, s6;
	[sflag:s5] =	ssyncadd.s32 @!p0 $0xFFFFFFFF  }
0xb3: {  	s25 =	simm.s32 $0x1B8E;
	s24 =	sld [smem:$0x3FFE];
	[sflag:s4] =	ssyncadd.remote.s32 @!p0 $0x1  }
0xb4: {  	s26 =	simm.s32 $execute0_lowered;
	[smem:$0x3FD2] =	sst s25  }
0xb5: {  	s5 =	sshll.u32 s26, $0x1;
	_ =	strace $0x8000004C;
	[dreg:$0x1] =	wrdreg $0xFFFFFFFF  }
0xb6: {  	s28 =	simm.s32 $_size_execute0_lowered;
	s3 =	sadd.s32 s3, s5;
	[dreg:$0x0] =	wrdreg $0x0  }
0xb7: {  	s5 =	sshll.u32 s28, $0x1;
	[dreg:$0x2] =	wrdreg s3  }
0xb8: {  	[dreg:$0x3] =	wrdreg s5  }
0xb9: {  	[dreg:$0x4] =	wrdreg $0xC0  }
0xba: {  	_ =	task [dreg:s22], $0x5FFFF  }
0xbb: {  	[dreg:$0x1] =	wrdreg $0xFFFFFFFF  }
0xbc: {  	[dreg:$0x0] =	wrdreg $0x60  }
0xbd: {  	[dreg:$0x2] =	wrdreg s24  }
0xbe: {  	[dreg:$0x3] =	wrdreg $0xA  }
0xbf: {  	_ =	task.clear_ibuf [dreg:s22], $0x4FFFF;
	_ =	strace $0x9000004C  }
0xc0: {  	s29 =	simm.s32 $0xA;
	_ =	strace $0x8000004E  }
0xc1: {  	_ =	swait.ge [sflag:s29], $0x1  }
0xc2: {  	[sflag:s29] =	ssyncadd.s32 $0xFFFFFFFF  }
0xc3: {  	_ =	strace $0x9000004E  }
0xc4: {  	_ =	sfence  }
0xc5: {  	s30 =	sld [smem:$0x0];
	_ =	sdelay $0x2  }
0xc6: {  	s31 =	sshll.u32 s1, $0xD;
	s1 =	sshrl.u32 s1, $0x2  }
0xc7: {  	s4 =	sand.u32 $0x4000, s31;
	s1 =	sadd.s32 s1, s30  }
0xc8: {  	s0 =	sor.u32 s4, s0;
	s1 =	sshll.u32 s1, $0x11  }
0xc9: {  	s0 =	sor.u32 s1, s0  }
0xca: {  	s0 =	sadd.s32 $0x8F2B, s0  }
0xcb: {  	[sflag:s0] =	ssyncadd.remote.s32 $0x1  }
0xcc: {  	_ =	sfence.sel $0xFFFF  }
0xcd: {  	[dreg:$0x0] =	wrdreg $0xFFFFFFFF;
	(pc) =	sbr.abs _section_cstart, $3  }
0xce: {  	[dreg:$0x1] =	wrdreg $0xFFFFFFFF  }
0xcf: {  	_ =	task.clear_ibuf [dreg:s22], $0x2FFFF;
	_ =	strace $0x9FFFFFFF  }
0xd0: {  	(tm) =	ssettm $0x7FFFFFFF  }
0xd1: {  	_ =	shalt  }
tec
execute0_lowered:
.L_overlay_start_1:
0x0: {  	(tag) =	ssettag $0x1  }
0x1: {  	s0 =	rddreg [dreg:$0x0]  }
0x2: {  	s2 =	srdreg.scid;
	s1 =	stileid.u32  }
0x3: {  	s8 =	simm.s32 $0x80;
	s26 =	simm.s32 $0x880;
	s9 =	simm.s32 $0x1080  }
0x4: {  	s10 =	simm.s32 $0x1880;
	s11 =	simm.s32 $0x2080;
	s12 =	simm.s32 $0x2880  }
0x5: {  	s13 =	simm.s32 $0x3080;
	s14 =	simm.s32 $0x3880;
	s15 =	simm.s32 $0x4080  }
0x6: {  	s16 =	simm.s32 $0x4880;
	s17 =	simm.s32 $0x5080;
	s18 =	simm.s32 $0x5880  }
0x7: {  	s19 =	simm.s32 $0x6080;
	s20 =	simm.s32 $0x6880;
	s21 =	simm.s32 $0x7080  }
0x8: {  	s22 =	simm.s32 $0x7880;
	s23 =	simm.s32 $0x8080;
	s24 =	simm.s32 $0x8880  }
0x9: {  	s28 =	simm.s32 $0xA080;
	s29 =	simm.s32 $0xA880;
	s30 =	simm.s32 $0xB080  }
0xa: {  	s31 =	simm.s32 $0xB880;
	s3 =	sand.u32 $0x1, s2;
	s2 =	simm.s32 $0x0  }
0xb: {  	s4 =	sshll.u32 s1, $0x4;
	s5 =	sshll.u32 s3, $0x3;
	[smem:$0x7FF] =	sst s2  }
0xc: {  	s6 =	ssub.s32 $0x2, s3;
	s3 =	sadd.s32 $0x4200, s0;
	s4 =	sor.u32 s5, s4  }
0xd: {  	_ =	strace $0x8000004D;
	s7 =	sshrl.u32 s6, $0x1;
	[dreg:$0x4] =	wrdreg s26  }
0xe: {  	s26 =	simm.s32 $0x9880;
	s5 =	smul.u32 $0x300, s4;
	s4 =	sadd.s32 s4, s0  }
0xf: {  	s6 =	ssub.s32 s6, s7;
	s7 =	simm.s32 $0x2;
	s4 =	sadd.s32 $0x3E00, s4  }
0x10: {  	v2 =	vlaneseq.u32;
	s6 =	smax.u32 s6, $0x1;
	s5 =	sadd.s32 s5, s0;
	[dreg:$0x2] =	wrdreg s4  }
0x11: {  	vm0 =	vmmov $0xffff;
	v1 =	vshrl.u32 v2, $0x3;
	s4 =	sadd.s32 $0x4300, s0;
	s25 =	sadd.s32 $0x94200, s5;
	s5 =	sadd.s32 $0x4400, s0  }
0x12: {  	v0 =	vand.u32 $0x7, v2;
	v2 =	vor.u32 $0x8, v2;
	v1 =	vmul.u32 $0x8, v1;
	s0 =	simm.s32 $0x1;
	[dreg:$0x3] =	wrdreg s25;
	s25 =	simm.s32 $0x9080  }
.LBB2_1:
0x13: {  	s1 =	rddreg [dreg:$0x2]  }
0x14: {  	[tilespmem:s2], [sflag:$0x2] =	stream.linear.gather [hbm4b:s1+s2], $0x40, $0x38;
	[tilespmem:$0xC080] =	vst v63  }
0x15: {  	_ =	swait.ge [sflag:s7], $0x40  }
0x16: {  	[sflag:s7] =	ssyncset.done $0x0  }
0x17: {  	[sflag:s7] =	ssyncadd.s32 $0xFFFFFFC0  }
0x18: {  	v3 =	vld [tilespmem:$0x0];
	_ =	sdelay $0x4  }
0x19: {  	v4 =	vshrl.u32 v3, $0x3  }
0x1a: {  	v4 =	vmul.u32 $0x30, v4  }
0x1b: {  	v3 =	vand.u32 $0x7, v3  }
0x1c: {  	v3 =	vor.u32 v3, v4  }
0x1d: {  	v4 =	vperm.xlane v3, v0;
	_ =	sdelay $0x1  }
0x1e: {  	v4 =	vadd.s32 v1, v4;
	_ =	sdelay $0x3  }
0x1f: {  	v3 =	vperm.xlane v3, v2  }
0x20: {  	[tilespmem:s8], [sflag:$0x1] =	stream.indirect_vreg.gather [hbm4b:s3+s2], $0x80, v4, vm0, $0xb8;
	[tilespmem:$0xC080] =	vst v63  }
0x21: {  	s1 =	rddreg [dreg:$0x4];
	v3 =	vadd.s32 v1, v3  }
0x22: {  	[tilespmem:s1], [sflag:$0x1] =	stream.indirect_vreg.gather [hbm4b:s4+s2], $0x80, v4, vm0, $0xb8;
	[tilespmem:$0xC080] =	vst v63  }
0x23: {  	_ = 	snop  }
0x24: {  	[tilespmem:s9], [sflag:$0x1] =	stream.indirect_vreg.gather [hbm4b:s5+s2], $0x80, v4, vm0, $0xb8;
	[tilespmem:$0xC080] =	vst v63  }
0x25: {  	_ = 	snop  }
0x26: {  	[tilespmem:s10], [sflag:$0x1] =	stream.indirect_vreg.gather [hbm4b:s3+s2], $0x80, v3, vm0, $0xb8;
	[tilespmem:$0xC080] =	vst v63  }
0x27: {  	_ = 	snop  }
0x28: {  	[tilespmem:s11], [sflag:$0x1] =	stream.indirect_vreg.gather [hbm4b:s4+s2], $0x80, v3, vm0, $0xb8;
	[tilespmem:$0xC080] =	vst v63  }
0x29: {  	_ = 	snop  }
0x2a: {  	[tilespmem:s12], [sflag:$0x1] =	stream.indirect_vreg.gather [hbm4b:s5+s2], $0x80, v3, vm0, $0xb8;
	[tilespmem:$0xC080] =	vst v63  }
0x2b: {  	v3 =	vld [tilespmem:$0x10];
	_ =	sdelay $0x4  }
0x2c: {  	v61 =	vshrl.u32 v3, $0x3  }
0x2d: {  	v4 =	vmul.u32 $0x30, v61  }
0x2e: {  	v3 =	vand.u32 $0x7, v3  }
0x2f: {  	v3 =	vor.u32 v3, v4  }
0x30: {  	v4 =	vperm.xlane v3, v0;
	_ =	sdelay $0x1  }
0x31: {  	v4 =	vadd.s32 v1, v4;
	_ =	sdelay $0x3  }
0x32: {  	v3 =	vperm.xlane v3, v2  }
0x33: {  	[tilespmem:s13], [sflag:$0x1] =	stream.indirect_vreg.gather [hbm4b:s3+s2], $0x80, v4, vm0, $0xb8;
	[tilespmem:$0xC080] =	vst v63  }
0x34: {  	v3 =	vadd.s32 v1, v3  }
0x35: {  	[tilespmem:s14], [sflag:$0x1] =	stream.indirect_vreg.gather [hbm4b:s4+s2], $0x80, v4, vm0, $0xb8;
	[tilespmem:$0xC080] =	vst v63  }
0x36: {  	_ = 	snop  }
0x37: {  	[tilespmem:s15], [sflag:$0x1] =	stream.indirect_vreg.gather [hbm4b:s5+s2], $0x80, v4, vm0, $0xb8;
	[tilespmem:$0xC080] =	vst v63  }
0x38: {  	_ = 	snop  }
0x39: {  	[tilespmem:s16], [sflag:$0x1] =	stream.indirect_vreg.gather [hbm4b:s3+s2], $0x80, v3, vm0, $0xb8;
	[tilespmem:$0xC080] =	vst v63  }
0x3a: {  	_ = 	snop  }
0x3b: {  	[tilespmem:s17], [sflag:$0x1] =	stream.indirect_vreg.gather [hbm4b:s4+s2], $0x80, v3, vm0, $0xb8;
	[tilespmem:$0xC080] =	vst v63  }
0x3c: {  	_ = 	snop  }
0x3d: {  	[tilespmem:s18], [sflag:$0x1] =	stream.indirect_vreg.gather [hbm4b:s5+s2], $0x80, v3, vm0, $0xb8;
	[tilespmem:$0xC080] =	vst v63  }
0x3e: {  	v3 =	vld [tilespmem:$0x20];
	_ =	sdelay $0x4  }
0x3f: {  	v62 =	vshrl.u32 v3, $0x3  }
0x40: {  	v4 =	vmul.u32 $0x30, v62  }
0x41: {  	v3 =	vand.u32 $0x7, v3  }
0x42: {  	v3 =	vor.u32 v3, v4  }
0x43: {  	v4 =	vperm.xlane v3, v0;
	_ =	sdelay $0x1  }
0x44: {  	v4 =	vadd.s32 v1, v4;
	_ =	sdelay $0x3  }
0x45: {  	v3 =	vperm.xlane v3, v2  }
0x46: {  	[tilespmem:s19], [sflag:$0x1] =	stream.indirect_vreg.gather [hbm4b:s3+s2], $0x80, v4, vm0, $0xb8;
	[tilespmem:$0xC080] =	vst v63  }
0x47: {  	v3 =	vadd.s32 v1, v3  }
0x48: {  	[tilespmem:s20], [sflag:$0x1] =	stream.indirect_vreg.gather [hbm4b:s4+s2], $0x80, v4, vm0, $0xb8;
	[tilespmem:$0xC080] =	vst v63  }
0x49: {  	_ = 	snop  }
0x4a: {  	[tilespmem:s21], [sflag:$0x1] =	stream.indirect_vreg.gather [hbm4b:s5+s2], $0x80, v4, vm0, $0xb8;
	[tilespmem:$0xC080] =	vst v63  }
0x4b: {  	_ = 	snop  }
0x4c: {  	[tilespmem:s22], [sflag:$0x1] =	stream.indirect_vreg.gather [hbm4b:s3+s2], $0x80, v3, vm0, $0xb8;
	[tilespmem:$0xC080] =	vst v63  }
0x4d: {  	_ = 	snop  }
0x4e: {  	[tilespmem:s23], [sflag:$0x1] =	stream.indirect_vreg.gather [hbm4b:s4+s2], $0x80, v3, vm0, $0xb8;
	[tilespmem:$0xC080] =	vst v63  }
0x4f: {  	_ = 	snop  }
0x50: {  	[tilespmem:s24], [sflag:$0x1] =	stream.indirect_vreg.gather [hbm4b:s5+s2], $0x80, v3, vm0, $0xb8;
	[tilespmem:$0xC080] =	vst v63  }
0x51: {  	v3 =	vld [tilespmem:$0x30];
	_ =	sdelay $0x4  }
0x52: {  	v63 =	vshrl.u32 v3, $0x3  }
0x53: {  	v4 =	vmul.u32 $0x30, v63  }
0x54: {  	v3 =	vand.u32 $0x7, v3  }
0x55: {  	v3 =	vor.u32 v3, v4  }
0x56: {  	v4 =	vperm.xlane v3, v0;
	_ =	sdelay $0x1  }
0x57: {  	v4 =	vadd.s32 v1, v4;
	_ =	sdelay $0x3  }
0x58: {  	v3 =	vperm.xlane v3, v2  }
0x59: {  	[tilespmem:s25], [sflag:$0x1] =	stream.indirect_vreg.gather [hbm4b:s3+s2], $0x80, v4, vm0, $0xb8;
	[tilespmem:$0xC080] =	vst v63  }
0x5a: {  	v3 =	vadd.s32 v1, v3  }
0x5b: {  	[tilespmem:s26], [sflag:$0x1] =	stream.indirect_vreg.gather [hbm4b:s4+s2], $0x80, v4, vm0, $0xb8;
	[tilespmem:$0xC080] =	vst v63  }
0x5c: {  	_ = 	snop  }
0x5d: {  	[tilespmem:s28], [sflag:$0x1] =	stream.indirect_vreg.gather [hbm4b:s5+s2], $0x80, v4, vm0, $0xb8;
	[tilespmem:$0xC080] =	vst v63  }
0x5e: {  	_ = 	snop  }
0x5f: {  	[tilespmem:s29], [sflag:$0x1] =	stream.indirect_vreg.gather [hbm4b:s3+s2], $0x80, v3, vm0, $0xb8;
	[tilespmem:$0xC080] =	vst v63  }
0x60: {  	_ = 	snop  }
0x61: {  	[tilespmem:s30], [sflag:$0x1] =	stream.indirect_vreg.gather [hbm4b:s4+s2], $0x80, v3, vm0, $0xb8;
	[tilespmem:$0xC080] =	vst v63  }
0x62: {  	_ = 	snop  }
0x63: {  	[tilespmem:s31], [sflag:$0x1] =	stream.indirect_vreg.gather [hbm4b:s5+s2], $0x80, v3, vm0, $0xb8;
	[tilespmem:$0xC080] =	vst v63  }
0x64: {  	_ =	swait.ge [sflag:s0], $0xC000  }
0x65: {  	p0 =	sne.s32 s6, $0x1;
	[sflag:s0] =	ssyncset.done $0x0  }
.Ltmp0:
0x66: {  	s1 =	rddreg [dreg:$0x3];
	[sflag:s0] =	ssyncadd.s32 $0xFFFF4000;
	(pc) =	sbr.rel @p0 .LBB2_1-.Ltmp0, $4  }
0x67: {  	[hbm4b:s1+s2] =	stream.linear.scatter [tilespmem:s8], [sflag:$0x2], $0xC000, $0x38;
	[tilespmem:$0xC080] =	vst v63  }
0x68: {  	_ =	swait.ge [sflag:s7], $0xC000  }
0x69: {  	[sflag:s7] =	ssyncset.done $0x0  }
0x6a: {  	s6 =	sadd.s32 $0xFFFFFFFF, s6;
	[sflag:s7] =	ssyncadd.s32 $0xFFFF4000  }
0x6b: {  	_ =	sfence.sel $0x180000  }
0x6c: {  	[bflag:$0x0] =	sbarrier.arrive $0xFFFF  }
0x6d: {  	_ =	strace $0x9000004D  }
0x6e: {  	s0 =	stileid.u32;
	[bflag:$0x2] =	sbarrier.arrive $0xFFFF  }
0x6f: {  	p0 =	sne.s32 s0, $0x0;
	s0 =	rddreg [dreg:$0x1]  }
0x70: {  	s0 =	sadd.s32 @!p0 $0x100000, s0  }
0x71: {  	[sflag:s0] =	ssyncadd.tile.s32 @!p0 $0x1;
	_ =	shalt  }
.Lfunc_end2:
_tile_overlayer_lowered:
.L_overlay_start_2:
0x72: {  	(tag) =	ssettag $0x2  }
0x73: {  	s0 =	rddreg [dreg:$0x0];
	s2 =	stileid.u32  }
0x74: {  	s1 =	rddreg [dreg:$0x1];
	p0 =	sne.s32 s2, $0x0  }
0x75: {  	s3 =	rddreg [dreg:$0x2];
	[bflag:$0x3] =	sbarrier.arrive $0xFFFF;
	s2 =	simm.s32 @!p0 $0x1C02  }
0x76: {  	[timem:s3], [sflag:s2] =	dma.local @!p0 [hbm:s0], s1  }
0x77: {  	s0 =	simm.s32 @!p0 $0x2  }
0x78: {  	_ =	swait.ge @!p0 [sflag:s0], s1  }
0x79: {  	s1 =	ssub.s32 @!p0 $0x0, s1;
	[sflag:s0] =	ssyncset.done @!p0 $0x0  }
0x7a: {  	[sflag:s0] =	ssyncadd.s32 @!p0 s1  }
0x7b: {  	[bflag:$0x3] =	sbarrier.arrive $0xFFFF  }
0x7c: {  	_ =	shalt  }

</sc_bundles>
